<compile_context>
chip_gen: v7x
topology: tpu7x:2x2x1
jax: 0.10.2.dev20260603
libtpu: 0.0.44.dev20260713+nightly
codegen_flags: <defaults>
</compile_context>

<pallas_src>
import functools

import jax
import jax.numpy as jnp
from jax import lax
from jax.experimental import pallas as pl
from jax.experimental.pallas import tpu as pltpu
from jax.experimental.pallas import tpu_sc as plsc

B = 16384
F = 26
V = 1000
D = V // 2
NUM = 13
H1, H2 = 256, 128
EPS = 1e-5

NC, NS, L = 2, 16, 16
NW = NC * NS
BPW = B // NW
CH = 4
CHF = CH * F
NCH = BPW // CH
OB = 64
OBJ = OB // CH
NV = H1 // L


def _proj_body(t_ref, w_ref, o_ref):
    o_ref[0] = jnp.dot(t_ref[0], w_ref[0], preferred_element_type=jnp.float32)


def _project_tables(tables, w1_emb):
    return pl.pallas_call(
        _proj_body,
        grid=(F,),
        in_specs=[
            pl.BlockSpec((1, V, D), lambda f: (f, 0, 0)),
            pl.BlockSpec((1, D, H1), lambda f: (f, 0, 0)),
        ],
        out_specs=pl.BlockSpec((1, V, H1), lambda f: (f, 0, 0)),
        out_shape=jax.ShapeDtypeStruct((F, V, H1), jnp.float32),
    )(tables, w1_emb)


def _sc_embed_bag(p_flat, idx3):
    mesh = plsc.VectorSubcoreMesh(core_axis_name="c", subcore_axis_name="s")

    @functools.partial(
        pl.kernel,
        out_type=jax.ShapeDtypeStruct((B, H1), jnp.float32),
        mesh=mesh,
        scratch_types=[
            pltpu.VMEM((NCH, CHF), jnp.int32),
            pltpu.VMEM((CHF, H1), jnp.float32),
            pltpu.VMEM((CHF, H1), jnp.float32),
            pltpu.VMEM((OB, H1), jnp.float32),
            pltpu.SemaphoreType.DMA,
            pltpu.SemaphoreType.DMA,
        ],
    )
    def k(p_hbm, idx_hbm, out_hbm, idx_v, buf0, buf1, obuf, sem0, sem1):
        wid = lax.axis_index("s") * NC + lax.axis_index("c")
        pltpu.sync_copy(idx_hbm.at[wid], idx_v)

        pltpu.async_copy(p_hbm.at[idx_v.at[0]], buf0, sem0)
        pltpu.async_copy(p_hbm.at[idx_v.at[1]], buf1, sem1)

        def chunk(j, buf, sem):
            pltpu.make_async_copy(p_hbm.at[idx_v.at[j]], buf, sem).wait()

            def sample(s, _):
                def row(r, accs):
                    base = s * F + r
                    return tuple(
                        accs[v] + buf[base, pl.ds(L * v, L)] for v in range(NV)
                    )

                accs = lax.fori_loop(
                    0, F, row,
                    tuple(jnp.zeros((L,), jnp.float32) for _ in range(NV)),
                )
                orow = (j % OBJ) * CH + s
                for v in range(NV):
                    obuf[orow, pl.ds(L * v, L)] = accs[v]
                return 0

            lax.fori_loop(0, CH, sample, 0)

            @pl.when(j + 2 < NCH)
            def _():
                pltpu.async_copy(p_hbm.at[idx_v.at[j + 2]], buf, sem)

            @pl.when(j % OBJ == OBJ - 1)
            def _():
                blk = j // OBJ
                pltpu.sync_copy(obuf, out_hbm.at[pl.ds(wid * BPW + blk * OB, OB)])

        def pair(i2, _):
            chunk(i2 * 2, buf0, sem0)
            chunk(i2 * 2 + 1, buf1, sem1)
            return 0

        lax.fori_loop(0, NCH // 2, pair, 0)

    return k(p_flat, idx3)


BLK = 2048
GRID = B // BLK


def _stats1_body(acc_ref, xn_ref, w1n_ref, b1_ref, st_ref):
    t = acc_ref[...] + jnp.dot(
        xn_ref[...], w1n_ref[...], preferred_element_type=jnp.float32
    ) + b1_ref[...]

    @pl.when(pl.program_id(0) == 0)
    def _():
        st_ref[...] = jnp.zeros_like(st_ref)

    s = jnp.sum(t, axis=0, keepdims=True)
    s2 = jnp.sum(t * t, axis=0, keepdims=True)
    st_ref[...] += jnp.concatenate([s, s2], axis=0)


def _layer12_body(acc_ref, xn_ref, w1n_ref, b1_ref, g1_ref, be1_ref, st_ref,
                  w2_ref, b2_ref, h2_ref, st2_ref):
    t = acc_ref[...] + jnp.dot(
        xn_ref[...], w1n_ref[...], preferred_element_type=jnp.float32
    ) + b1_ref[...]
    m = st_ref[0:1, :] * (1.0 / B)
    var = st_ref[1:2, :] * (1.0 / B) - m * m
    h1 = jnp.maximum((t - m) / jnp.sqrt(var + EPS) * g1_ref[...] + be1_ref[...], 0.0)
    h2 = jnp.dot(h1, w2_ref[...], preferred_element_type=jnp.float32) + b2_ref[...]
    h2_ref[...] = h2

    @pl.when(pl.program_id(0) == 0)
    def _():
        st2_ref[...] = jnp.zeros_like(st2_ref)

    s = jnp.sum(h2, axis=0, keepdims=True)
    s2 = jnp.sum(h2 * h2, axis=0, keepdims=True)
    st2_ref[...] += jnp.concatenate([s, s2], axis=0)


def _head_body(h2_ref, st2_ref, g2_ref, be2_ref, w3_ref, b3_ref, xn_ref, o_ref):
    m = st2_ref[0:1, :] * (1.0 / B)
    var = st2_ref[1:2, :] * (1.0 / B) - m * m
    h = jnp.maximum(
        (h2_ref[...] - m) / jnp.sqrt(var + EPS) * g2_ref[...] + be2_ref[...], 0.0
    )
    o = jnp.dot(h, w3_ref[...], preferred_element_type=jnp.float32) + b3_ref[...]
    o_ref[...] = o + xn_ref[:, NUM - 1:NUM]


def _row_spec(width):
    return pl.BlockSpec((BLK, width), lambda i: (i, 0))


def _fixed_spec(r, c):
    return pl.BlockSpec((r, c), lambda i: (0, 0))


def _mlp_tail(acc, x_num, w1n, b1, g1, beta1, w2, b2, g2, beta2, w3, b3):
    st = pl.pallas_call(
        _stats1_body,
        grid=(GRID,),
        in_specs=[_row_spec(H1), _row_spec(NUM), _fixed_spec(NUM, H1),
                  _fixed_spec(1, H1)],
        out_specs=_fixed_spec(2, H1),
        out_shape=jax.ShapeDtypeStruct((2, H1), jnp.float32),
    )(acc, x_num, w1n, b1)

    h2, st2 = pl.pallas_call(
        _layer12_body,
        grid=(GRID,),
        in_specs=[_row_spec(H1), _row_spec(NUM), _fixed_spec(NUM, H1),
                  _fixed_spec(1, H1), _fixed_spec(1, H1), _fixed_spec(1, H1),
                  _fixed_spec(2, H1), _fixed_spec(H1, H2), _fixed_spec(1, H2)],
        out_specs=[_row_spec(H2), _fixed_spec(2, H2)],
        out_shape=[jax.ShapeDtypeStruct((B, H2), jnp.float32),
                   jax.ShapeDtypeStruct((2, H2), jnp.float32)],
    )(acc, x_num, w1n, b1, g1, beta1, st, w2, b2)

    out = pl.pallas_call(
        _head_body,
        grid=(GRID,),
        in_specs=[_row_spec(H2), _fixed_spec(2, H2), _fixed_spec(1, H2),
                  _fixed_spec(1, H2), _fixed_spec(H2, 1), _fixed_spec(1, 1),
                  _row_spec(NUM)],
        out_specs=_row_spec(1),
        out_shape=jax.ShapeDtypeStruct((B, 1), jnp.float32),
    )(h2, st2, g2, beta2, w3, b3, x_num)
    return out


def kernel(x_cat, x_num, tables, W1, b1, g1, beta1, W2, b2, g2, beta2, W3, b3):
    w1_emb = W1[: F * D].reshape(F, D, H1)
    w1n = W1[F * D:]

    p = _project_tables(tables, w1_emb).reshape(F * V, H1)

    offs = (jnp.arange(F, dtype=jnp.int32) * V)[None, :]
    idx3 = (x_cat.astype(jnp.int32) + offs).reshape(NW, NCH, CHF)
    acc = _sc_embed_bag(p, idx3)

    return _mlp_tail(
        acc, x_num, w1n,
        b1.reshape(1, H1), g1.reshape(1, H1), beta1.reshape(1, H1),
        W2, b2.reshape(1, H2), g2.reshape(1, H2), beta2.reshape(1, H2),
        W3, b3.reshape(1, 1),
    )

# --- scband reference (transcript-rebuilt; emitter-appended) ---
"""Pipeline reference for scband-neural-net-w-emb-res-26147760898706 (READ-ONLY COPY).

The authoritative reference and input builder live on the scoring server;
editing this copy changes nothing except your own understanding.
"""

import jax, jax.numpy as jnp
import numpy as np

B = 16384
F = 26          # number of categorical fields
V = 1000        # classes per field
D = V // 2      # embedding dim per field (module: len(classes)//2)
NUM = 13        # numerical columns
IN_DIM = F * D + NUM
H1, H2 = 256, 128
EPS = 1e-5


def setup_inputs(seed: int = 0) -> dict:
    key = jax.random.key(seed)
    ks = jax.random.split(key, 16)
    x_cat = jax.random.randint(ks[0], (B, F), 0, V, dtype=jnp.int64)
    x_num = jax.random.normal(ks[1], (B, NUM), dtype=jnp.float32)
    tables = (jax.random.normal(ks[2], (F, V, D), dtype=jnp.float32) * 0.02)
    W1 = jax.random.normal(ks[3], (IN_DIM, H1), dtype=jnp.float32) / np.sqrt(IN_DIM)
    b1 = jnp.zeros((H1,), jnp.float32)
    g1 = jnp.ones((H1,), jnp.float32)
    beta1 = jnp.zeros((H1,), jnp.float32)
    W2 = jax.random.normal(ks[4], (H1, H2), dtype=jnp.float32) / np.sqrt(H1)
    b2 = jnp.zeros((H2,), jnp.float32)
    g2 = jnp.ones((H2,), jnp.float32)
    beta2 = jnp.zeros((H2,), jnp.float32)
    W3 = jax.random.normal(ks[5], (H2, 1), dtype=jnp.float32) / np.sqrt(H2)
    b3 = jnp.zeros((1,), jnp.float32)
    return {"x_cat": x_cat, "x_num": x_num, "tables": tables,
            "W1": W1, "b1": b1, "g1": g1, "beta1": beta1,
            "W2": W2, "b2": b2, "g2": g2, "beta2": beta2,
            "W3": W3, "b3": b3}


def _batchnorm(h, g, beta):
    m = jnp.mean(h, axis=0)
    v = jnp.var(h, axis=0)
    return (h - m) / jnp.sqrt(v + EPS) * g + beta


def reference(x_cat, x_num, tables, W1, b1, g1, beta1, W2, b2, g2, beta2, W3, b3):
    # per-field embedding lookup: tables[i][x_cat[:, i]] for each field i
    emb = tables[jnp.arange(F)[None, :], x_cat]          # [B, F, D]
    x = jnp.concatenate([emb.reshape(B, F * D), x_num], axis=1)  # [B, IN_DIM]
    h = jax.nn.relu(_batchnorm(x @ W1 + b1, g1, beta1))  # dropout = identity (inference)
    h = jax.nn.relu(_batchnorm(h @ W2 + b2, g2, beta2))
    out = h @ W3 + b3                                    # [B, 1]
    return out + x_num[:, -1:]                           # residual on last numeric col

if __name__ == "__main__":
    import jax
    _d = setup_inputs()
    print(jax.jit(kernel)(*tuple(_d.values())))

</pallas_src>

<mosaic_0001>
#map = affine_map<(d0, d1) -> (0, 0)>
#map1 = affine_map<(d0, d1) -> (0, 0, 0)>
module attributes {stable_mosaic.version = 14 : i64} {
  func.func @k(%arg0: i32, %arg1: i32, %arg2: memref<26000x256xf32, #tpu.memory_space<hbm>>, %arg3: memref<32x128x104xi32, #tpu.memory_space<hbm>>, %arg4: memref<16384x256xf32, #tpu.memory_space<hbm>>, %arg5: memref<128x104xi32, #tpu.memory_space<vmem>>, %arg6: memref<104x256xf32, #tpu.memory_space<vmem>>, %arg7: memref<104x256xf32, #tpu.memory_space<vmem>>, %arg8: memref<64x256xf32, #tpu.memory_space<vmem>>, %arg9: memref<!tpu.dma_semaphore, #tpu.memory_space<semaphore_mem>>, %arg10: memref<!tpu.dma_semaphore, #tpu.memory_space<semaphore_mem>>) attributes {dimension_semantics = [#tpu.dimension_semantics<core_parallel>, #tpu.dimension_semantics<subcore_parallel>], iteration_bounds = array<i64: 2, 16>, scalar_prefetch = 0 : i64, scratch_operands = 6 : i64, tpu.core_type = #tpu.core_type<sc_vector_subcore>, window_params = [{transform_indices = #map}, {transform_indices = #map1}, {transform_indices = #map}]} {
    %mul3A = arith.constant 2 : i32
    %mul3A_0 = arith.muli %arg1, %mul3A : i32
    %add3A = arith.addi %mul3A_0, %arg0 : i32
    "tpu.region"() ({
      %run_scoped3A = tpu.sem_alloc : memref<!tpu.dma_semaphore, #tpu.memory_space<semaphore_mem>>
      %dma_start3A_20 = arith.constant 0 : i32
      %dma_start3A_21 = arith.constant 0 : i32
      %dma_start3A_22 = tpu.memref_slice %arg3[%add3A, %dma_start3A_20, %dma_start3A_21] : memref<32x128x104xi32, #tpu.memory_space<hbm>> -> memref<1x128x104xi32, #tpu.memory_space<hbm>>
      %dma_start3A_23 = tpu.memref_squeeze %dma_start3A_22 : memref<1x128x104xi32, #tpu.memory_space<hbm>> -> memref<128x104xi32, #tpu.memory_space<hbm>>
      %dma_start3A_24 = arith.constant 0 : i32
      %dma_start3A_25 = arith.constant 0 : i32
      %dma_start3A_26 = tpu.memref_slice %arg3[%add3A, %dma_start3A_24, %dma_start3A_25] : memref<32x128x104xi32, #tpu.memory_space<hbm>> -> memref<1x128x104xi32, #tpu.memory_space<hbm>>
      %dma_start3A_27 = tpu.memref_squeeze %dma_start3A_26 : memref<1x128x104xi32, #tpu.memory_space<hbm>> -> memref<128x104xi32, #tpu.memory_space<hbm>>
      tpu.enqueue_dma source(%dma_start3A_27 : memref<128x104xi32, #tpu.memory_space<hbm>>) target(%arg5 : memref<128x104xi32, #tpu.memory_space<vmem>>) target_semaphore(%run_scoped3A : memref<!tpu.dma_semaphore, #tpu.memory_space<semaphore_mem>>)
      %dma_wait3A = arith.constant 0 : i32
      %dma_wait3A_28 = arith.constant 0 : i32
      %dma_wait3A_29 = tpu.memref_slice %arg3[%add3A, %dma_wait3A, %dma_wait3A_28] : memref<32x128x104xi32, #tpu.memory_space<hbm>> -> memref<1x128x104xi32, #tpu.memory_space<hbm>>
      %dma_wait3A_30 = tpu.memref_squeeze %dma_wait3A_29 : memref<1x128x104xi32, #tpu.memory_space<hbm>> -> memref<128x104xi32, #tpu.memory_space<hbm>>
      %dma_wait3A_31 = arith.constant 0 : i32
      %dma_wait3A_32 = arith.constant 0 : i32
      %dma_wait3A_33 = tpu.memref_slice %arg3[%add3A, %dma_wait3A_31, %dma_wait3A_32] : memref<32x128x104xi32, #tpu.memory_space<hbm>> -> memref<1x128x104xi32, #tpu.memory_space<hbm>>
      %dma_wait3A_34 = tpu.memref_squeeze %dma_wait3A_33 : memref<1x128x104xi32, #tpu.memory_space<hbm>> -> memref<128x104xi32, #tpu.memory_space<hbm>>
      tpu.wait_dma2 semaphore(%run_scoped3A : memref<!tpu.dma_semaphore, #tpu.memory_space<semaphore_mem>>) src(%dma_wait3A_34 : memref<128x104xi32, #tpu.memory_space<hbm>>) dst(%arg5 : memref<128x104xi32, #tpu.memory_space<vmem>>)
      tpu.yield
    }) : () -> ()
    %dma_start3A = arith.constant 0 : i32
    %dma_start3A_1 = arith.constant 0 : i32
    %dma_start3A_2 = tpu.memref_slice %arg5[%dma_start3A, %dma_start3A_1] : memref<128x104xi32, #tpu.memory_space<vmem>> -> memref<1x104xi32, #tpu.memory_space<vmem>>
    %dma_start3A_3 = tpu.memref_squeeze %dma_start3A_2 : memref<1x104xi32, #tpu.memory_space<vmem>> -> memref<104xi32, #tpu.memory_space<vmem>>
    %dma_start3A_4 = arith.constant 0 : i32
    %dma_start3A_5 = arith.constant 0 : i32
    %dma_start3A_6 = tpu.memref_slice %arg2[%dma_start3A_4, %dma_start3A_5] : memref<26000x256xf32, #tpu.memory_space<hbm>> -> memref<26000x256xf32, #tpu.memory_space<hbm>>
    tpu.enqueue_indirect_dma source(%dma_start3A_6 : memref<26000x256xf32, #tpu.memory_space<hbm>>) target(%arg6 : memref<104x256xf32, #tpu.memory_space<vmem>>) offsets(%dma_start3A_3 : memref<104xi32, #tpu.memory_space<vmem>>) semaphore(%arg9 : memref<!tpu.dma_semaphore, #tpu.memory_space<semaphore_mem>>)
    %dma_start3A_7 = arith.constant 1 : i32
    %dma_start3A_8 = arith.constant 0 : i32
    %dma_start3A_9 = tpu.memref_slice %arg5[%dma_start3A_7, %dma_start3A_8] : memref<128x104xi32, #tpu.memory_space<vmem>> -> memref<1x104xi32, #tpu.memory_space<vmem>>
    %dma_start3A_10 = tpu.memref_squeeze %dma_start3A_9 : memref<1x104xi32, #tpu.memory_space<vmem>> -> memref<104xi32, #tpu.memory_space<vmem>>
    %dma_start3A_11 = arith.constant 0 : i32
    %dma_start3A_12 = arith.constant 0 : i32
    %dma_start3A_13 = tpu.memref_slice %arg2[%dma_start3A_11, %dma_start3A_12] : memref<26000x256xf32, #tpu.memory_space<hbm>> -> memref<26000x256xf32, #tpu.memory_space<hbm>>
    tpu.enqueue_indirect_dma source(%dma_start3A_13 : memref<26000x256xf32, #tpu.memory_space<hbm>>) target(%arg7 : memref<104x256xf32, #tpu.memory_space<vmem>>) offsets(%dma_start3A_10 : memref<104xi32, #tpu.memory_space<vmem>>) semaphore(%arg10 : memref<!tpu.dma_semaphore, #tpu.memory_space<semaphore_mem>>)
    %scan3A = arith.constant 0 : i32
    %scan3A_14 = arith.constant 0 : i32
    %scan3A_15 = arith.constant 64 : i32
    %scan3A_16 = arith.addi %scan3A_14, %scan3A_15 : i32
    %scan3A_17 = arith.constant 1 : i32
    %scan3A_18 = scf.for %scan3A_20 = %scan3A_14 to %scan3A_16 step %scan3A_17 iter_args(%scan3A_21 = %scan3A) -> (i32)  : i32 {
      %mul3A_22 = arith.constant 2 : i32
      %mul3A_23 = arith.muli %scan3A_20, %mul3A_22 : i32
      %dma_wait3A = arith.constant 0 : i32
      %dma_wait3A_24 = tpu.memref_slice %arg5[%mul3A_23, %dma_wait3A] : memref<128x104xi32, #tpu.memory_space<vmem>> -> memref<1x104xi32, #tpu.memory_space<vmem>>
      %dma_wait3A_25 = tpu.memref_squeeze %dma_wait3A_24 : memref<1x104xi32, #tpu.memory_space<vmem>> -> memref<104xi32, #tpu.memory_space<vmem>>
      %dma_wait3A_26 = arith.constant 0 : i32
      %dma_wait3A_27 = arith.constant 0 : i32
      %dma_wait3A_28 = tpu.memref_slice %arg2[%dma_wait3A_26, %dma_wait3A_27] : memref<26000x256xf32, #tpu.memory_space<hbm>> -> memref<26000x256xf32, #tpu.memory_space<hbm>>
      tpu.wait_indirect_dma semaphore(%arg9 : memref<!tpu.dma_semaphore, #tpu.memory_space<semaphore_mem>>) src(%dma_wait3A_28 : memref<26000x256xf32, #tpu.memory_space<hbm>>) dst(%arg6 : memref<104x256xf32, #tpu.memory_space<vmem>>)
      %scan3A_29 = arith.constant 0 : i32
      %scan3A_30 = arith.constant 0 : i32
      %scan3A_31 = arith.constant 4 : i32
      %scan3A_32 = arith.addi %scan3A_30, %scan3A_31 : i32
      %scan3A_33 = arith.constant 1 : i32
      %scan3A_34 = scf.for %scan3A_101 = %scan3A_30 to %scan3A_32 step %scan3A_33 iter_args(%scan3A_102 = %scan3A_29) -> (i32)  : i32 {
        %broadcast_in_dim3A = arith.constant 0.000000e+00 : f32
        %broadcast_in_dim3A_103 = vector.broadcast %broadcast_in_dim3A : f32 to vector<16xf32>
        %broadcast_in_dim3A_104 = arith.constant 0.000000e+00 : f32
        %broadcast_in_dim3A_105 = vector.broadcast %broadcast_in_dim3A_104 : f32 to vector<16xf32>
        %broadcast_in_dim3A_106 = arith.constant 0.000000e+00 : f32
        %broadcast_in_dim3A_107 = vector.broadcast %broadcast_in_dim3A_106 : f32 to vector<16xf32>
        %broadcast_in_dim3A_108 = arith.constant 0.000000e+00 : f32
        %broadcast_in_dim3A_109 = vector.broadcast %broadcast_in_dim3A_108 : f32 to vector<16xf32>
        %broadcast_in_dim3A_110 = arith.constant 0.000000e+00 : f32
        %broadcast_in_dim3A_111 = vector.broadcast %broadcast_in_dim3A_110 : f32 to vector<16xf32>
        %broadcast_in_dim3A_112 = arith.constant 0.000000e+00 : f32
        %broadcast_in_dim3A_113 = vector.broadcast %broadcast_in_dim3A_112 : f32 to vector<16xf32>
        %broadcast_in_dim3A_114 = arith.constant 0.000000e+00 : f32
        %broadcast_in_dim3A_115 = vector.broadcast %broadcast_in_dim3A_114 : f32 to vector<16xf32>
        %broadcast_in_dim3A_116 = arith.constant 0.000000e+00 : f32
        %broadcast_in_dim3A_117 = vector.broadcast %broadcast_in_dim3A_116 : f32 to vector<16xf32>
        %broadcast_in_dim3A_118 = arith.constant 0.000000e+00 : f32
        %broadcast_in_dim3A_119 = vector.broadcast %broadcast_in_dim3A_118 : f32 to vector<16xf32>
        %broadcast_in_dim3A_120 = arith.constant 0.000000e+00 : f32
        %broadcast_in_dim3A_121 = vector.broadcast %broadcast_in_dim3A_120 : f32 to vector<16xf32>
        %broadcast_in_dim3A_122 = arith.constant 0.000000e+00 : f32
        %broadcast_in_dim3A_123 = vector.broadcast %broadcast_in_dim3A_122 : f32 to vector<16xf32>
        %broadcast_in_dim3A_124 = arith.constant 0.000000e+00 : f32
        %broadcast_in_dim3A_125 = vector.broadcast %broadcast_in_dim3A_124 : f32 to vector<16xf32>
        %broadcast_in_dim3A_126 = arith.constant 0.000000e+00 : f32
        %broadcast_in_dim3A_127 = vector.broadcast %broadcast_in_dim3A_126 : f32 to vector<16xf32>
        %broadcast_in_dim3A_128 = arith.constant 0.000000e+00 : f32
        %broadcast_in_dim3A_129 = vector.broadcast %broadcast_in_dim3A_128 : f32 to vector<16xf32>
        %broadcast_in_dim3A_130 = arith.constant 0.000000e+00 : f32
        %broadcast_in_dim3A_131 = vector.broadcast %broadcast_in_dim3A_130 : f32 to vector<16xf32>
        %broadcast_in_dim3A_132 = arith.constant 0.000000e+00 : f32
        %broadcast_in_dim3A_133 = vector.broadcast %broadcast_in_dim3A_132 : f32 to vector<16xf32>
        %scan3A_134 = arith.constant 0 : i32
        %scan3A_135 = arith.constant 26 : i32
        %scan3A_136 = arith.addi %scan3A_134, %scan3A_135 : i32
        %scan3A_137 = arith.constant 1 : i32
        %scan3A_138:16 = scf.for %scan3A_239 = %scan3A_134 to %scan3A_136 step %scan3A_137 iter_args(%scan3A_240 = %broadcast_in_dim3A_103, %scan3A_241 = %broadcast_in_dim3A_105, %scan3A_242 = %broadcast_in_dim3A_107, %scan3A_243 = %broadcast_in_dim3A_109, %scan3A_244 = %broadcast_in_dim3A_111, %scan3A_245 = %broadcast_in_dim3A_113, %scan3A_246 = %broadcast_in_dim3A_115, %scan3A_247 = %broadcast_in_dim3A_117, %scan3A_248 = %broadcast_in_dim3A_119, %scan3A_249 = %broadcast_in_dim3A_121, %scan3A_250 = %broadcast_in_dim3A_123, %scan3A_251 = %broadcast_in_dim3A_125, %scan3A_252 = %broadcast_in_dim3A_127, %scan3A_253 = %broadcast_in_dim3A_129, %scan3A_254 = %broadcast_in_dim3A_131, %scan3A_255 = %broadcast_in_dim3A_133) -> (vector<16xf32>, vector<16xf32>, vector<16xf32>, vector<16xf32>, vector<16xf32>, vector<16xf32>, vector<16xf32>, vector<16xf32>, vector<16xf32>, vector<16xf32>, vector<16xf32>, vector<16xf32>, vector<16xf32>, vector<16xf32>, vector<16xf32>, vector<16xf32>)  : i32 {
          %mul3A_256 = arith.constant 26 : i32
          %mul3A_257 = arith.muli %scan3A_101, %mul3A_256 : i32
          %add3A_258 = arith.addi %mul3A_257, %scan3A_239 : i32
          %get3A = arith.index_cast %add3A_258 : i32 to index
          %get3A_259 = arith.constant 0 : index
          %get3A_260 = tpu.vector_load %arg6[%get3A, %get3A_259] {strides = array<i32>} : memref<104x256xf32, #tpu.memory_space<vmem>>, vector<1x16xf32>,
          %get3A_261 = vector.shape_cast %get3A_260 : vector<1x16xf32> to vector<16xf32>
          %add3A_262 = arith.addf %scan3A_240, %get3A_261 : vector<16xf32>
          %get3A_263 = arith.index_cast %add3A_258 : i32 to index
          %get3A_264 = arith.constant 16 : index
          %get3A_265 = tpu.vector_load %arg6[%get3A_263, %get3A_264] {strides = array<i32>} : memref<104x256xf32, #tpu.memory_space<vmem>>, vector<1x16xf32>,
          %get3A_266 = vector.shape_cast %get3A_265 : vector<1x16xf32> to vector<16xf32>
          %add3A_267 = arith.addf %scan3A_241, %get3A_266 : vector<16xf32>
          %get3A_268 = arith.index_cast %add3A_258 : i32 to index
          %get3A_269 = arith.constant 32 : index
          %get3A_270 = tpu.vector_load %arg6[%get3A_268, %get3A_269] {strides = array<i32>} : memref<104x256xf32, #tpu.memory_space<vmem>>, vector<1x16xf32>,
          %get3A_271 = vector.shape_cast %get3A_270 : vector<1x16xf32> to vector<16xf32>
          %add3A_272 = arith.addf %scan3A_242, %get3A_271 : vector<16xf32>
          %get3A_273 = arith.index_cast %add3A_258 : i32 to index
          %get3A_274 = arith.constant 48 : index
          %get3A_275 = tpu.vector_load %arg6[%get3A_273, %get3A_274] {strides = array<i32>} : memref<104x256xf32, #tpu.memory_space<vmem>>, vector<1x16xf32>,
          %get3A_276 = vector.shape_cast %get3A_275 : vector<1x16xf32> to vector<16xf32>
          %add3A_277 = arith.addf %scan3A_243, %get3A_276 : vector<16xf32>
          %get3A_278 = arith.index_cast %add3A_258 : i32 to index
          %get3A_279 = arith.constant 64 : index
          %get3A_280 = tpu.vector_load %arg6[%get3A_278, %get3A_279] {strides = array<i32>} : memref<104x256xf32, #tpu.memory_space<vmem>>, vector<1x16xf32>,
          %get3A_281 = vector.shape_cast %get3A_280 : vector<1x16xf32> to vector<16xf32>
          %add3A_282 = arith.addf %scan3A_244, %get3A_281 : vector<16xf32>
          %get3A_283 = arith.index_cast %add3A_258 : i32 to index
          %get3A_284 = arith.constant 80 : index
          %get3A_285 = tpu.vector_load %arg6[%get3A_283, %get3A_284] {strides = array<i32>} : memref<104x256xf32, #tpu.memory_space<vmem>>, vector<1x16xf32>,
          %get3A_286 = vector.shape_cast %get3A_285 : vector<1x16xf32> to vector<16xf32>
          %add3A_287 = arith.addf %scan3A_245, %get3A_286 : vector<16xf32>
          %get3A_288 = arith.index_cast %add3A_258 : i32 to index
          %get3A_289 = arith.constant 96 : index
          %get3A_290 = tpu.vector_load %arg6[%get3A_288, %get3A_289] {strides = array<i32>} : memref<104x256xf32, #tpu.memory_space<vmem>>, vector<1x16xf32>,
          %get3A_291 = vector.shape_cast %get3A_290 : vector<1x16xf32> to vector<16xf32>
          %add3A_292 = arith.addf %scan3A_246, %get3A_291 : vector<16xf32>
          %get3A_293 = arith.index_cast %add3A_258 : i32 to index
          %get3A_294 = arith.constant 112 : index
          %get3A_295 = tpu.vector_load %arg6[%get3A_293, %get3A_294] {strides = array<i32>} : memref<104x256xf32, #tpu.memory_space<vmem>>, vector<1x16xf32>,
          %get3A_296 = vector.shape_cast %get3A_295 : vector<1x16xf32> to vector<16xf32>
          %add3A_297 = arith.addf %scan3A_247, %get3A_296 : vector<16xf32>
          %get3A_298 = arith.index_cast %add3A_258 : i32 to index
          %get3A_299 = arith.constant 128 : index
          %get3A_300 = tpu.vector_load %arg6[%get3A_298, %get3A_299] {strides = array<i32>} : memref<104x256xf32, #tpu.memory_space<vmem>>, vector<1x16xf32>,
          %get3A_301 = vector.shape_cast %get3A_300 : vector<1x16xf32> to vector<16xf32>
          %add3A_302 = arith.addf %scan3A_248, %get3A_301 : vector<16xf32>
          %get3A_303 = arith.index_cast %add3A_258 : i32 to index
          %get3A_304 = arith.constant 144 : index
          %get3A_305 = tpu.vector_load %arg6[%get3A_303, %get3A_304] {strides = array<i32>} : memref<104x256xf32, #tpu.memory_space<vmem>>, vector<1x16xf32>,
          %get3A_306 = vector.shape_cast %get3A_305 : vector<1x16xf32> to vector<16xf32>
          %add3A_307 = arith.addf %scan3A_249, %get3A_306 : vector<16xf32>
          %get3A_308 = arith.index_cast %add3A_258 : i32 to index
          %get3A_309 = arith.constant 160 : index
          %get3A_310 = tpu.vector_load %arg6[%get3A_308, %get3A_309] {strides = array<i32>} : memref<104x256xf32, #tpu.memory_space<vmem>>, vector<1x16xf32>,
          %get3A_311 = vector.shape_cast %get3A_310 : vector<1x16xf32> to vector<16xf32>
          %add3A_312 = arith.addf %scan3A_250, %get3A_311 : vector<16xf32>
          %get3A_313 = arith.index_cast %add3A_258 : i32 to index
          %get3A_314 = arith.constant 176 : index
          %get3A_315 = tpu.vector_load %arg6[%get3A_313, %get3A_314] {strides = array<i32>} : memref<104x256xf32, #tpu.memory_space<vmem>>, vector<1x16xf32>,
          %get3A_316 = vector.shape_cast %get3A_315 : vector<1x16xf32> to vector<16xf32>
          %add3A_317 = arith.addf %scan3A_251, %get3A_316 : vector<16xf32>
          %get3A_318 = arith.index_cast %add3A_258 : i32 to index
          %get3A_319 = arith.constant 192 : index
          %get3A_320 = tpu.vector_load %arg6[%get3A_318, %get3A_319] {strides = array<i32>} : memref<104x256xf32, #tpu.memory_space<vmem>>, vector<1x16xf32>,
          %get3A_321 = vector.shape_cast %get3A_320 : vector<1x16xf32> to vector<16xf32>
          %add3A_322 = arith.addf %scan3A_252, %get3A_321 : vector<16xf32>
          %get3A_323 = arith.index_cast %add3A_258 : i32 to index
          %get3A_324 = arith.constant 208 : index
          %get3A_325 = tpu.vector_load %arg6[%get3A_323, %get3A_324] {strides = array<i32>} : memref<104x256xf32, #tpu.memory_space<vmem>>, vector<1x16xf32>,
          %get3A_326 = vector.shape_cast %get3A_325 : vector<1x16xf32> to vector<16xf32>
          %add3A_327 = arith.addf %scan3A_253, %get3A_326 : vector<16xf32>
          %get3A_328 = arith.index_cast %add3A_258 : i32 to index
          %get3A_329 = arith.constant 224 : index
          %get3A_330 = tpu.vector_load %arg6[%get3A_328, %get3A_329] {strides = array<i32>} : memref<104x256xf32, #tpu.memory_space<vmem>>, vector<1x16xf32>,
          %get3A_331 = vector.shape_cast %get3A_330 : vector<1x16xf32> to vector<16xf32>
          %add3A_332 = arith.addf %scan3A_254, %get3A_331 : vector<16xf32>
          %get3A_333 = arith.index_cast %add3A_258 : i32 to index
          %get3A_334 = arith.constant 240 : index
          %get3A_335 = tpu.vector_load %arg6[%get3A_333, %get3A_334] {strides = array<i32>} : memref<104x256xf32, #tpu.memory_space<vmem>>, vector<1x16xf32>,
          %get3A_336 = vector.shape_cast %get3A_335 : vector<1x16xf32> to vector<16xf32>
          %add3A_337 = arith.addf %scan3A_255, %get3A_336 : vector<16xf32>
          scf.yield %add3A_262, %add3A_267, %add3A_272, %add3A_277, %add3A_282, %add3A_287, %add3A_292, %add3A_297, %add3A_302, %add3A_307, %add3A_312, %add3A_317, %add3A_322, %add3A_327, %add3A_332, %add3A_337 : vector<16xf32>, vector<16xf32>, vector<16xf32>, vector<16xf32>, vector<16xf32>, vector<16xf32>, vector<16xf32>, vector<16xf32>, vector<16xf32>, vector<16xf32>, vector<16xf32>, vector<16xf32>, vector<16xf32>, vector<16xf32>, vector<16xf32>, vector<16xf32>
        }
        %scan3A_139 = arith.constant 26 : i32
        %jit3A_140 = arith.constant 16 : i32
        %eq3A_141 = arith.constant 0 : i32
        %eq3A_142 = arith.cmpi eq, %jit3A_140, %eq3A_141 : i32
        %jit3A_143 = arith.constant 1 : i32
        %select_n3A_144 = arith.select %eq3A_142, %jit3A_143, %jit3A_140 : i32
        %rem3A_145 = arith.remsi %mul3A_23, %select_n3A_144 : i32
        %ne3A_146 = arith.constant 0 : i32
        %ne3A_147 = arith.cmpi ne, %rem3A_145, %ne3A_146 : i32
        %lt3A_148 = arith.constant 0 : i32
        %lt3A_149 = arith.cmpi slt, %rem3A_145, %lt3A_148 : i32
        %lt3A_150 = arith.constant 0 : i32
        %lt3A_151 = arith.cmpi slt, %select_n3A_144, %lt3A_150 : i32
        %ne3A_152 = arith.xori %lt3A_149, %lt3A_151 : i1
        %and3A_153 = arith.andi %ne3A_152, %ne3A_147 : i1
        %add3A_154 = arith.addi %rem3A_145, %select_n3A_144 : i32
        %select_n3A_155 = arith.select %and3A_153, %add3A_154, %rem3A_145 : i32
        %mul3A_156 = arith.constant 4 : i32
        %mul3A_157 = arith.muli %select_n3A_155, %mul3A_156 : i32
        %add3A_158 = arith.addi %mul3A_157, %scan3A_101 : i32
        %swap3A = arith.index_cast %add3A_158 : i32 to index
        %swap3A_159 = arith.constant 0 : index
        %swap3A_160 = tpu.vector_load %arg8[%swap3A, %swap3A_159] {strides = array<i32>} : memref<64x256xf32, #tpu.memory_space<vmem>>, vector<1x16xf32>,
        %swap3A_161 = vector.shape_cast %swap3A_160 : vector<1x16xf32> to vector<16xf32>
        %swap3A_162 = vector.shape_cast %scan3A_138#0 : vector<16xf32> to vector<1x16xf32>
        tpu.vector_store %arg8[%swap3A, %swap3A_159], %swap3A_162 {strides = array<i32>} : memref<64x256xf32, #tpu.memory_space<vmem>>, vector<1x16xf32>,
        %swap3A_163 = arith.index_cast %add3A_158 : i32 to index
        %swap3A_164 = arith.constant 16 : index
        %swap3A_165 = tpu.vector_load %arg8[%swap3A_163, %swap3A_164] {strides = array<i32>} : memref<64x256xf32, #tpu.memory_space<vmem>>, vector<1x16xf32>,
        %swap3A_166 = vector.shape_cast %swap3A_165 : vector<1x16xf32> to vector<16xf32>
        %swap3A_167 = vector.shape_cast %scan3A_138#1 : vector<16xf32> to vector<1x16xf32>
        tpu.vector_store %arg8[%swap3A_163, %swap3A_164], %swap3A_167 {strides = array<i32>} : memref<64x256xf32, #tpu.memory_space<vmem>>, vector<1x16xf32>,
        %swap3A_168 = arith.index_cast %add3A_158 : i32 to index
        %swap3A_169 = arith.constant 32 : index
        %swap3A_170 = tpu.vector_load %arg8[%swap3A_168, %swap3A_169] {strides = array<i32>} : memref<64x256xf32, #tpu.memory_space<vmem>>, vector<1x16xf32>,
        %swap3A_171 = vector.shape_cast %swap3A_170 : vector<1x16xf32> to vector<16xf32>
        %swap3A_172 = vector.shape_cast %scan3A_138#2 : vector<16xf32> to vector<1x16xf32>
        tpu.vector_store %arg8[%swap3A_168, %swap3A_169], %swap3A_172 {strides = array<i32>} : memref<64x256xf32, #tpu.memory_space<vmem>>, vector<1x16xf32>,
        %swap3A_173 = arith.index_cast %add3A_158 : i32 to index
        %swap3A_174 = arith.constant 48 : index
        %swap3A_175 = tpu.vector_load %arg8[%swap3A_173, %swap3A_174] {strides = array<i32>} : memref<64x256xf32, #tpu.memory_space<vmem>>, vector<1x16xf32>,
        %swap3A_176 = vector.shape_cast %swap3A_175 : vector<1x16xf32> to vector<16xf32>
        %swap3A_177 = vector.shape_cast %scan3A_138#3 : vector<16xf32> to vector<1x16xf32>
        tpu.vector_store %arg8[%swap3A_173, %swap3A_174], %swap3A_177 {strides = array<i32>} : memref<64x256xf32, #tpu.memory_space<vmem>>, vector<1x16xf32>,
        %swap3A_178 = arith.index_cast %add3A_158 : i32 to index
        %swap3A_179 = arith.constant 64 : index
        %swap3A_180 = tpu.vector_load %arg8[%swap3A_178, %swap3A_179] {strides = array<i32>} : memref<64x256xf32, #tpu.memory_space<vmem>>, vector<1x16xf32>,
        %swap3A_181 = vector.shape_cast %swap3A_180 : vector<1x16xf32> to vector<16xf32>
        %swap3A_182 = vector.shape_cast %scan3A_138#4 : vector<16xf32> to vector<1x16xf32>
        tpu.vector_store %arg8[%swap3A_178, %swap3A_179], %swap3A_182 {strides = array<i32>} : memref<64x256xf32, #tpu.memory_space<vmem>>, vector<1x16xf32>,
        %swap3A_183 = arith.index_cast %add3A_158 : i32 to index
        %swap3A_184 = arith.constant 80 : index
        %swap3A_185 = tpu.vector_load %arg8[%swap3A_183, %swap3A_184] {strides = array<i32>} : memref<64x256xf32, #tpu.memory_space<vmem>>, vector<1x16xf32>,
        %swap3A_186 = vector.shape_cast %swap3A_185 : vector<1x16xf32> to vector<16xf32>
        %swap3A_187 = vector.shape_cast %scan3A_138#5 : vector<16xf32> to vector<1x16xf32>
        tpu.vector_store %arg8[%swap3A_183, %swap3A_184], %swap3A_187 {strides = array<i32>} : memref<64x256xf32, #tpu.memory_space<vmem>>, vector<1x16xf32>,
        %swap3A_188 = arith.index_cast %add3A_158 : i32 to index
        %swap3A_189 = arith.constant 96 : index
        %swap3A_190 = tpu.vector_load %arg8[%swap3A_188, %swap3A_189] {strides = array<i32>} : memref<64x256xf32, #tpu.memory_space<vmem>>, vector<1x16xf32>,
        %swap3A_191 = vector.shape_cast %swap3A_190 : vector<1x16xf32> to vector<16xf32>
        %swap3A_192 = vector.shape_cast %scan3A_138#6 : vector<16xf32> to vector<1x16xf32>
        tpu.vector_store %arg8[%swap3A_188, %swap3A_189], %swap3A_192 {strides = array<i32>} : memref<64x256xf32, #tpu.memory_space<vmem>>, vector<1x16xf32>,
        %swap3A_193 = arith.index_cast %add3A_158 : i32 to index
        %swap3A_194 = arith.constant 112 : index
        %swap3A_195 = tpu.vector_load %arg8[%swap3A_193, %swap3A_194] {strides = array<i32>} : memref<64x256xf32, #tpu.memory_space<vmem>>, vector<1x16xf32>,
        %swap3A_196 = vector.shape_cast %swap3A_195 : vector<1x16xf32> to vector<16xf32>
        %swap3A_197 = vector.shape_cast %scan3A_138#7 : vector<16xf32> to vector<1x16xf32>
        tpu.vector_store %arg8[%swap3A_193, %swap3A_194], %swap3A_197 {strides = array<i32>} : memref<64x256xf32, #tpu.memory_space<vmem>>, vector<1x16xf32>,
        %swap3A_198 = arith.index_cast %add3A_158 : i32 to index
        %swap3A_199 = arith.constant 128 : index
        %swap3A_200 = tpu.vector_load %arg8[%swap3A_198, %swap3A_199] {strides = array<i32>} : memref<64x256xf32, #tpu.memory_space<vmem>>, vector<1x16xf32>,
        %swap3A_201 = vector.shape_cast %swap3A_200 : vector<1x16xf32> to vector<16xf32>
        %swap3A_202 = vector.shape_cast %scan3A_138#8 : vector<16xf32> to vector<1x16xf32>
        tpu.vector_store %arg8[%swap3A_198, %swap3A_199], %swap3A_202 {strides = array<i32>} : memref<64x256xf32, #tpu.memory_space<vmem>>, vector<1x16xf32>,
        %swap3A_203 = arith.index_cast %add3A_158 : i32 to index
        %swap3A_204 = arith.constant 144 : index
        %swap3A_205 = tpu.vector_load %arg8[%swap3A_203, %swap3A_204] {strides = array<i32>} : memref<64x256xf32, #tpu.memory_space<vmem>>, vector<1x16xf32>,
        %swap3A_206 = vector.shape_cast %swap3A_205 : vector<1x16xf32> to vector<16xf32>
        %swap3A_207 = vector.shape_cast %scan3A_138#9 : vector<16xf32> to vector<1x16xf32>
        tpu.vector_store %arg8[%swap3A_203, %swap3A_204], %swap3A_207 {strides = array<i32>} : memref<64x256xf32, #tpu.memory_space<vmem>>, vector<1x16xf32>,
        %swap3A_208 = arith.index_cast %add3A_158 : i32 to index
        %swap3A_209 = arith.constant 160 : index
        %swap3A_210 = tpu.vector_load %arg8[%swap3A_208, %swap3A_209] {strides = array<i32>} : memref<64x256xf32, #tpu.memory_space<vmem>>, vector<1x16xf32>,
        %swap3A_211 = vector.shape_cast %swap3A_210 : vector<1x16xf32> to vector<16xf32>
        %swap3A_212 = vector.shape_cast %scan3A_138#10 : vector<16xf32> to vector<1x16xf32>
        tpu.vector_store %arg8[%swap3A_208, %swap3A_209], %swap3A_212 {strides = array<i32>} : memref<64x256xf32, #tpu.memory_space<vmem>>, vector<1x16xf32>,
        %swap3A_213 = arith.index_cast %add3A_158 : i32 to index
        %swap3A_214 = arith.constant 176 : index
        %swap3A_215 = tpu.vector_load %arg8[%swap3A_213, %swap3A_214] {strides = array<i32>} : memref<64x256xf32, #tpu.memory_space<vmem>>, vector<1x16xf32>,
        %swap3A_216 = vector.shape_cast %swap3A_215 : vector<1x16xf32> to vector<16xf32>
        %swap3A_217 = vector.shape_cast %scan3A_138#11 : vector<16xf32> to vector<1x16xf32>
        tpu.vector_store %arg8[%swap3A_213, %swap3A_214], %swap3A_217 {strides = array<i32>} : memref<64x256xf32, #tpu.memory_space<vmem>>, vector<1x16xf32>,
        %swap3A_218 = arith.index_cast %add3A_158 : i32 to index
        %swap3A_219 = arith.constant 192 : index
        %swap3A_220 = tpu.vector_load %arg8[%swap3A_218, %swap3A_219] {strides = array<i32>} : memref<64x256xf32, #tpu.memory_space<vmem>>, vector<1x16xf32>,
        %swap3A_221 = vector.shape_cast %swap3A_220 : vector<1x16xf32> to vector<16xf32>
        %swap3A_222 = vector.shape_cast %scan3A_138#12 : vector<16xf32> to vector<1x16xf32>
        tpu.vector_store %arg8[%swap3A_218, %swap3A_219], %swap3A_222 {strides = array<i32>} : memref<64x256xf32, #tpu.memory_space<vmem>>, vector<1x16xf32>,
        %swap3A_223 = arith.index_cast %add3A_158 : i32 to index
        %swap3A_224 = arith.constant 208 : index
        %swap3A_225 = tpu.vector_load %arg8[%swap3A_223, %swap3A_224] {strides = array<i32>} : memref<64x256xf32, #tpu.memory_space<vmem>>, vector<1x16xf32>,
        %swap3A_226 = vector.shape_cast %swap3A_225 : vector<1x16xf32> to vector<16xf32>
        %swap3A_227 = vector.shape_cast %scan3A_138#13 : vector<16xf32> to vector<1x16xf32>
        tpu.vector_store %arg8[%swap3A_223, %swap3A_224], %swap3A_227 {strides = array<i32>} : memref<64x256xf32, #tpu.memory_space<vmem>>, vector<1x16xf32>,
        %swap3A_228 = arith.index_cast %add3A_158 : i32 to index
        %swap3A_229 = arith.constant 224 : index
        %swap3A_230 = tpu.vector_load %arg8[%swap3A_228, %swap3A_229] {strides = array<i32>} : memref<64x256xf32, #tpu.memory_space<vmem>>, vector<1x16xf32>,
        %swap3A_231 = vector.shape_cast %swap3A_230 : vector<1x16xf32> to vector<16xf32>
        %swap3A_232 = vector.shape_cast %scan3A_138#14 : vector<16xf32> to vector<1x16xf32>
        tpu.vector_store %arg8[%swap3A_228, %swap3A_229], %swap3A_232 {strides = array<i32>} : memref<64x256xf32, #tpu.memory_space<vmem>>, vector<1x16xf32>,
        %swap3A_233 = arith.index_cast %add3A_158 : i32 to index
        %swap3A_234 = arith.constant 240 : index
        %swap3A_235 = tpu.vector_load %arg8[%swap3A_233, %swap3A_234] {strides = array<i32>} : memref<64x256xf32, #tpu.memory_space<vmem>>, vector<1x16xf32>,
        %swap3A_236 = vector.shape_cast %swap3A_235 : vector<1x16xf32> to vector<16xf32>
        %swap3A_237 = vector.shape_cast %scan3A_138#15 : vector<16xf32> to vector<1x16xf32>
        tpu.vector_store %arg8[%swap3A_233, %swap3A_234], %swap3A_237 {strides = array<i32>} : memref<64x256xf32, #tpu.memory_space<vmem>>, vector<1x16xf32>,
        %scan3A_238 = arith.constant 0 : i32
        scf.yield %scan3A_238 : i32
      }
      %scan3A_35 = arith.constant 4 : i32
      %add3A_36 = arith.constant 2 : i32
      %add3A_37 = arith.addi %mul3A_23, %add3A_36 : i32
      %lt3A = arith.constant 128 : i32
      %lt3A_38 = arith.cmpi slt, %add3A_37, %lt3A : i32
      %convert_element_type3A = arith.extui %lt3A_38 : i1 to i32
      %cond3A = arith.constant 0 : i32
      %cond3A_39 = arith.cmpi ne, %convert_element_type3A, %cond3A : i32
      scf.if %cond3A_39 {
        %add3A_101 = arith.constant 2 : i32
        %add3A_102 = arith.addi %mul3A_23, %add3A_101 : i32
        %dma_start3A_103 = arith.constant 0 : i32
        %dma_start3A_104 = tpu.memref_slice %arg5[%add3A_102, %dma_start3A_103] : memref<128x104xi32, #tpu.memory_space<vmem>> -> memref<1x104xi32, #tpu.memory_space<vmem>>
        %dma_start3A_105 = tpu.memref_squeeze %dma_start3A_104 : memref<1x104xi32, #tpu.memory_space<vmem>> -> memref<104xi32, #tpu.memory_space<vmem>>
        %dma_start3A_106 = arith.constant 0 : i32
        %dma_start3A_107 = arith.constant 0 : i32
        %dma_start3A_108 = tpu.memref_slice %arg2[%dma_start3A_106, %dma_start3A_107] : memref<26000x256xf32, #tpu.memory_space<hbm>> -> memref<26000x256xf32, #tpu.memory_space<hbm>>
        tpu.enqueue_indirect_dma source(%dma_start3A_108 : memref<26000x256xf32, #tpu.memory_space<hbm>>) target(%arg6 : memref<104x256xf32, #tpu.memory_space<vmem>>) offsets(%dma_start3A_105 : memref<104xi32, #tpu.memory_space<vmem>>) semaphore(%arg9 : memref<!tpu.dma_semaphore, #tpu.memory_space<semaphore_mem>>)
      } else {
      }
      %jit3A = arith.constant 16 : i32
      %eq3A = arith.constant 0 : i32
      %eq3A_40 = arith.cmpi eq, %jit3A, %eq3A : i32
      %jit3A_41 = arith.constant 1 : i32
      %select_n3A = arith.select %eq3A_40, %jit3A_41, %jit3A : i32
      %rem3A = arith.remsi %mul3A_23, %select_n3A : i32
      %ne3A = arith.constant 0 : i32
      %ne3A_42 = arith.cmpi ne, %rem3A, %ne3A : i32
      %lt3A_43 = arith.constant 0 : i32
      %lt3A_44 = arith.cmpi slt, %rem3A, %lt3A_43 : i32
      %lt3A_45 = arith.constant 0 : i32
      %lt3A_46 = arith.cmpi slt, %select_n3A, %lt3A_45 : i32
      %ne3A_47 = arith.xori %lt3A_44, %lt3A_46 : i1
      %and3A = arith.andi %ne3A_47, %ne3A_42 : i1
      %add3A_48 = arith.addi %rem3A, %select_n3A : i32
      %select_n3A_49 = arith.select %and3A, %add3A_48, %rem3A : i32
      %eq3A_50 = arith.constant 15 : i32
      %eq3A_51 = arith.cmpi eq, %select_n3A_49, %eq3A_50 : i32
      %convert_element_type3A_52 = arith.extui %eq3A_51 : i1 to i32
      %cond3A_53 = arith.constant 0 : i32
      %cond3A_54 = arith.cmpi ne, %convert_element_type3A_52, %cond3A_53 : i32
      scf.if %cond3A_54 {
        %jit3A_101 = arith.constant 16 : i32
        %div3A = arith.divsi %mul3A_23, %jit3A_101 : i32
        %sign3A = arith.constant 0 : i32
        %sign3A_102 = arith.cmpi sgt, %mul3A_23, %sign3A : i32
        %sign3A_103 = arith.extui %sign3A_102 : i1 to i32
        %sign3A_104 = arith.constant 0 : i32
        %sign3A_105 = arith.cmpi slt, %mul3A_23, %sign3A_104 : i32
        %sign3A_106 = arith.extui %sign3A_105 : i1 to i32
        %sign3A_107 = arith.subi %sign3A_103, %sign3A_106 : i32
        %sign3A_108 = arith.constant 0 : i32
        %sign3A_109 = arith.cmpi sgt, %jit3A_101, %sign3A_108 : i32
        %sign3A_110 = arith.extui %sign3A_109 : i1 to i32
        %sign3A_111 = arith.constant 0 : i32
        %sign3A_112 = arith.cmpi slt, %jit3A_101, %sign3A_111 : i32
        %sign3A_113 = arith.extui %sign3A_112 : i1 to i32
        %sign3A_114 = arith.subi %sign3A_110, %sign3A_113 : i32
        %ne3A_115 = arith.cmpi ne, %sign3A_107, %sign3A_114 : i32
        %rem3A_116 = arith.remsi %mul3A_23, %jit3A_101 : i32
        %ne3A_117 = arith.constant 0 : i32
        %ne3A_118 = arith.cmpi ne, %rem3A_116, %ne3A_117 : i32
        %and3A_119 = arith.andi %ne3A_115, %ne3A_118 : i1
        %sub3A = arith.constant 1 : i32
        %sub3A_120 = arith.subi %div3A, %sub3A : i32
        %select_n3A_121 = arith.select %and3A_119, %sub3A_120, %div3A : i32
        %mul3A_122 = arith.constant 512 : i32
        %mul3A_123 = arith.muli %add3A, %mul3A_122 : i32
        %mul3A_124 = arith.constant 64 : i32
        %mul3A_125 = arith.muli %select_n3A_121, %mul3A_124 : i32
        %add3A_126 = arith.addi %mul3A_123, %mul3A_125 : i32
        "tpu.region"() ({
          %run_scoped3A = tpu.sem_alloc : memref<!tpu.dma_semaphore, #tpu.memory_space<semaphore_mem>>
          %dma_start3A_127 = arith.constant 0 : i32
          %dma_start3A_128 = tpu.memref_slice %arg4[%add3A_126, %dma_start3A_127] : memref<16384x256xf32, #tpu.memory_space<hbm>> -> memref<64x256xf32, #tpu.memory_space<hbm>>
          %dma_start3A_129 = arith.constant 0 : i32
          %dma_start3A_130 = tpu.memref_slice %arg4[%add3A_126, %dma_start3A_129] : memref<16384x256xf32, #tpu.memory_space<hbm>> -> memref<64x256xf32, #tpu.memory_space<hbm>>
          tpu.enqueue_dma source(%arg8 : memref<64x256xf32, #tpu.memory_space<vmem>>) target(%dma_start3A_130 : memref<64x256xf32, #tpu.memory_space<hbm>>) target_semaphore(%run_scoped3A : memref<!tpu.dma_semaphore, #tpu.memory_space<semaphore_mem>>)
          %dma_wait3A_131 = arith.constant 0 : i32
          %dma_wait3A_132 = tpu.memref_slice %arg4[%add3A_126, %dma_wait3A_131] : memref<16384x256xf32, #tpu.memory_space<hbm>> -> memref<64x256xf32, #tpu.memory_space<hbm>>
          %dma_wait3A_133 = arith.constant 0 : i32
          %dma_wait3A_134 = tpu.memref_slice %arg4[%add3A_126, %dma_wait3A_133] : memref<16384x256xf32, #tpu.memory_space<hbm>> -> memref<64x256xf32, #tpu.memory_space<hbm>>
          tpu.wait_dma2 semaphore(%run_scoped3A : memref<!tpu.dma_semaphore, #tpu.memory_space<semaphore_mem>>) src(%arg8 : memref<64x256xf32, #tpu.memory_space<vmem>>) dst(%dma_wait3A_134 : memref<64x256xf32, #tpu.memory_space<hbm>>)
          tpu.yield
        }) : () -> ()
      } else {
      }
      %mul3A_55 = arith.constant 2 : i32
      %mul3A_56 = arith.muli %scan3A_20, %mul3A_55 : i32
      %add3A_57 = arith.constant 1 : i32
      %add3A_58 = arith.addi %mul3A_56, %add3A_57 : i32
      %dma_wait3A_59 = arith.constant 0 : i32
      %dma_wait3A_60 = tpu.memref_slice %arg5[%add3A_58, %dma_wait3A_59] : memref<128x104xi32, #tpu.memory_space<vmem>> -> memref<1x104xi32, #tpu.memory_space<vmem>>
      %dma_wait3A_61 = tpu.memref_squeeze %dma_wait3A_60 : memref<1x104xi32, #tpu.memory_space<vmem>> -> memref<104xi32, #tpu.memory_space<vmem>>
      %dma_wait3A_62 = arith.constant 0 : i32
      %dma_wait3A_63 = arith.constant 0 : i32
      %dma_wait3A_64 = tpu.memref_slice %arg2[%dma_wait3A_62, %dma_wait3A_63] : memref<26000x256xf32, #tpu.memory_space<hbm>> -> memref<26000x256xf32, #tpu.memory_space<hbm>>
      tpu.wait_indirect_dma semaphore(%arg10 : memref<!tpu.dma_semaphore, #tpu.memory_space<semaphore_mem>>) src(%dma_wait3A_64 : memref<26000x256xf32, #tpu.memory_space<hbm>>) dst(%arg7 : memref<104x256xf32, #tpu.memory_space<vmem>>)
      %scan3A_65 = arith.constant 0 : i32
      %scan3A_66 = arith.constant 0 : i32
      %scan3A_67 = arith.constant 4 : i32
      %scan3A_68 = arith.addi %scan3A_66, %scan3A_67 : i32
      %scan3A_69 = arith.constant 1 : i32
      %scan3A_70 = scf.for %scan3A_101 = %scan3A_66 to %scan3A_68 step %scan3A_69 iter_args(%scan3A_102 = %scan3A_65) -> (i32)  : i32 {
        %broadcast_in_dim3A = arith.constant 0.000000e+00 : f32
        %broadcast_in_dim3A_103 = vector.broadcast %broadcast_in_dim3A : f32 to vector<16xf32>
        %broadcast_in_dim3A_104 = arith.constant 0.000000e+00 : f32
        %broadcast_in_dim3A_105 = vector.broadcast %broadcast_in_dim3A_104 : f32 to vector<16xf32>
        %broadcast_in_dim3A_106 = arith.constant 0.000000e+00 : f32
        %broadcast_in_dim3A_107 = vector.broadcast %broadcast_in_dim3A_106 : f32 to vector<16xf32>
        %broadcast_in_dim3A_108 = arith.constant 0.000000e+00 : f32
        %broadcast_in_dim3A_109 = vector.broadcast %broadcast_in_dim3A_108 : f32 to vector<16xf32>
        %broadcast_in_dim3A_110 = arith.constant 0.000000e+00 : f32
        %broadcast_in_dim3A_111 = vector.broadcast %broadcast_in_dim3A_110 : f32 to vector<16xf32>
        %broadcast_in_dim3A_112 = arith.constant 0.000000e+00 : f32
        %broadcast_in_dim3A_113 = vector.broadcast %broadcast_in_dim3A_112 : f32 to vector<16xf32>
        %broadcast_in_dim3A_114 = arith.constant 0.000000e+00 : f32
        %broadcast_in_dim3A_115 = vector.broadcast %broadcast_in_dim3A_114 : f32 to vector<16xf32>
        %broadcast_in_dim3A_116 = arith.constant 0.000000e+00 : f32
        %broadcast_in_dim3A_117 = vector.broadcast %broadcast_in_dim3A_116 : f32 to vector<16xf32>
        %broadcast_in_dim3A_118 = arith.constant 0.000000e+00 : f32
        %broadcast_in_dim3A_119 = vector.broadcast %broadcast_in_dim3A_118 : f32 to vector<16xf32>
        %broadcast_in_dim3A_120 = arith.constant 0.000000e+00 : f32
        %broadcast_in_dim3A_121 = vector.broadcast %broadcast_in_dim3A_120 : f32 to vector<16xf32>
        %broadcast_in_dim3A_122 = arith.constant 0.000000e+00 : f32
        %broadcast_in_dim3A_123 = vector.broadcast %broadcast_in_dim3A_122 : f32 to vector<16xf32>
        %broadcast_in_dim3A_124 = arith.constant 0.000000e+00 : f32
        %broadcast_in_dim3A_125 = vector.broadcast %broadcast_in_dim3A_124 : f32 to vector<16xf32>
        %broadcast_in_dim3A_126 = arith.constant 0.000000e+00 : f32
        %broadcast_in_dim3A_127 = vector.broadcast %broadcast_in_dim3A_126 : f32 to vector<16xf32>
        %broadcast_in_dim3A_128 = arith.constant 0.000000e+00 : f32
        %broadcast_in_dim3A_129 = vector.broadcast %broadcast_in_dim3A_128 : f32 to vector<16xf32>
        %broadcast_in_dim3A_130 = arith.constant 0.000000e+00 : f32
        %broadcast_in_dim3A_131 = vector.broadcast %broadcast_in_dim3A_130 : f32 to vector<16xf32>
        %broadcast_in_dim3A_132 = arith.constant 0.000000e+00 : f32
        %broadcast_in_dim3A_133 = vector.broadcast %broadcast_in_dim3A_132 : f32 to vector<16xf32>
        %scan3A_134 = arith.constant 0 : i32
        %scan3A_135 = arith.constant 26 : i32
        %scan3A_136 = arith.addi %scan3A_134, %scan3A_135 : i32
        %scan3A_137 = arith.constant 1 : i32
        %scan3A_138:16 = scf.for %scan3A_239 = %scan3A_134 to %scan3A_136 step %scan3A_137 iter_args(%scan3A_240 = %broadcast_in_dim3A_103, %scan3A_241 = %broadcast_in_dim3A_105, %scan3A_242 = %broadcast_in_dim3A_107, %scan3A_243 = %broadcast_in_dim3A_109, %scan3A_244 = %broadcast_in_dim3A_111, %scan3A_245 = %broadcast_in_dim3A_113, %scan3A_246 = %broadcast_in_dim3A_115, %scan3A_247 = %broadcast_in_dim3A_117, %scan3A_248 = %broadcast_in_dim3A_119, %scan3A_249 = %broadcast_in_dim3A_121, %scan3A_250 = %broadcast_in_dim3A_123, %scan3A_251 = %broadcast_in_dim3A_125, %scan3A_252 = %broadcast_in_dim3A_127, %scan3A_253 = %broadcast_in_dim3A_129, %scan3A_254 = %broadcast_in_dim3A_131, %scan3A_255 = %broadcast_in_dim3A_133) -> (vector<16xf32>, vector<16xf32>, vector<16xf32>, vector<16xf32>, vector<16xf32>, vector<16xf32>, vector<16xf32>, vector<16xf32>, vector<16xf32>, vector<16xf32>, vector<16xf32>, vector<16xf32>, vector<16xf32>, vector<16xf32>, vector<16xf32>, vector<16xf32>)  : i32 {
          %mul3A_256 = arith.constant 26 : i32
          %mul3A_257 = arith.muli %scan3A_101, %mul3A_256 : i32
          %add3A_258 = arith.addi %mul3A_257, %scan3A_239 : i32
          %get3A = arith.index_cast %add3A_258 : i32 to index
          %get3A_259 = arith.constant 0 : index
          %get3A_260 = tpu.vector_load %arg7[%get3A, %get3A_259] {strides = array<i32>} : memref<104x256xf32, #tpu.memory_space<vmem>>, vector<1x16xf32>,
          %get3A_261 = vector.shape_cast %get3A_260 : vector<1x16xf32> to vector<16xf32>
          %add3A_262 = arith.addf %scan3A_240, %get3A_261 : vector<16xf32>
          %get3A_263 = arith.index_cast %add3A_258 : i32 to index
          %get3A_264 = arith.constant 16 : index
          %get3A_265 = tpu.vector_load %arg7[%get3A_263, %get3A_264] {strides = array<i32>} : memref<104x256xf32, #tpu.memory_space<vmem>>, vector<1x16xf32>,
          %get3A_266 = vector.shape_cast %get3A_265 : vector<1x16xf32> to vector<16xf32>
          %add3A_267 = arith.addf %scan3A_241, %get3A_266 : vector<16xf32>
          %get3A_268 = arith.index_cast %add3A_258 : i32 to index
          %get3A_269 = arith.constant 32 : index
          %get3A_270 = tpu.vector_load %arg7[%get3A_268, %get3A_269] {strides = array<i32>} : memref<104x256xf32, #tpu.memory_space<vmem>>, vector<1x16xf32>,
          %get3A_271 = vector.shape_cast %get3A_270 : vector<1x16xf32> to vector<16xf32>
          %add3A_272 = arith.addf %scan3A_242, %get3A_271 : vector<16xf32>
          %get3A_273 = arith.index_cast %add3A_258 : i32 to index
          %get3A_274 = arith.constant 48 : index
          %get3A_275 = tpu.vector_load %arg7[%get3A_273, %get3A_274] {strides = array<i32>} : memref<104x256xf32, #tpu.memory_space<vmem>>, vector<1x16xf32>,
          %get3A_276 = vector.shape_cast %get3A_275 : vector<1x16xf32> to vector<16xf32>
          %add3A_277 = arith.addf %scan3A_243, %get3A_276 : vector<16xf32>
          %get3A_278 = arith.index_cast %add3A_258 : i32 to index
          %get3A_279 = arith.constant 64 : index
          %get3A_280 = tpu.vector_load %arg7[%get3A_278, %get3A_279] {strides = array<i32>} : memref<104x256xf32, #tpu.memory_space<vmem>>, vector<1x16xf32>,
          %get3A_281 = vector.shape_cast %get3A_280 : vector<1x16xf32> to vector<16xf32>
          %add3A_282 = arith.addf %scan3A_244, %get3A_281 : vector<16xf32>
          %get3A_283 = arith.index_cast %add3A_258 : i32 to index
          %get3A_284 = arith.constant 80 : index
          %get3A_285 = tpu.vector_load %arg7[%get3A_283, %get3A_284] {strides = array<i32>} : memref<104x256xf32, #tpu.memory_space<vmem>>, vector<1x16xf32>,
          %get3A_286 = vector.shape_cast %get3A_285 : vector<1x16xf32> to vector<16xf32>
          %add3A_287 = arith.addf %scan3A_245, %get3A_286 : vector<16xf32>
          %get3A_288 = arith.index_cast %add3A_258 : i32 to index
          %get3A_289 = arith.constant 96 : index
          %get3A_290 = tpu.vector_load %arg7[%get3A_288, %get3A_289] {strides = array<i32>} : memref<104x256xf32, #tpu.memory_space<vmem>>, vector<1x16xf32>,
          %get3A_291 = vector.shape_cast %get3A_290 : vector<1x16xf32> to vector<16xf32>
          %add3A_292 = arith.addf %scan3A_246, %get3A_291 : vector<16xf32>
          %get3A_293 = arith.index_cast %add3A_258 : i32 to index
          %get3A_294 = arith.constant 112 : index
          %get3A_295 = tpu.vector_load %arg7[%get3A_293, %get3A_294] {strides = array<i32>} : memref<104x256xf32, #tpu.memory_space<vmem>>, vector<1x16xf32>,
          %get3A_296 = vector.shape_cast %get3A_295 : vector<1x16xf32> to vector<16xf32>
          %add3A_297 = arith.addf %scan3A_247, %get3A_296 : vector<16xf32>
          %get3A_298 = arith.index_cast %add3A_258 : i32 to index
          %get3A_299 = arith.constant 128 : index
          %get3A_300 = tpu.vector_load %arg7[%get3A_298, %get3A_299] {strides = array<i32>} : memref<104x256xf32, #tpu.memory_space<vmem>>, vector<1x16xf32>,
          %get3A_301 = vector.shape_cast %get3A_300 : vector<1x16xf32> to vector<16xf32>
          %add3A_302 = arith.addf %scan3A_248, %get3A_301 : vector<16xf32>
          %get3A_303 = arith.index_cast %add3A_258 : i32 to index
          %get3A_304 = arith.constant 144 : index
          %get3A_305 = tpu.vector_load %arg7[%get3A_303, %get3A_304] {strides = array<i32>} : memref<104x256xf32, #tpu.memory_space<vmem>>, vector<1x16xf32>,
          %get3A_306 = vector.shape_cast %get3A_305 : vector<1x16xf32> to vector<16xf32>
          %add3A_307 = arith.addf %scan3A_249, %get3A_306 : vector<16xf32>
          %get3A_308 = arith.index_cast %add3A_258 : i32 to index
          %get3A_309 = arith.constant 160 : index
          %get3A_310 = tpu.vector_load %arg7[%get3A_308, %get3A_309] {strides = array<i32>} : memref<104x256xf32, #tpu.memory_space<vmem>>, vector<1x16xf32>,
          %get3A_311 = vector.shape_cast %get3A_310 : vector<1x16xf32> to vector<16xf32>
          %add3A_312 = arith.addf %scan3A_250, %get3A_311 : vector<16xf32>
          %get3A_313 = arith.index_cast %add3A_258 : i32 to index
          %get3A_314 = arith.constant 176 : index
          %get3A_315 = tpu.vector_load %arg7[%get3A_313, %get3A_314] {strides = array<i32>} : memref<104x256xf32, #tpu.memory_space<vmem>>, vector<1x16xf32>,
          %get3A_316 = vector.shape_cast %get3A_315 : vector<1x16xf32> to vector<16xf32>
          %add3A_317 = arith.addf %scan3A_251, %get3A_316 : vector<16xf32>
          %get3A_318 = arith.index_cast %add3A_258 : i32 to index
          %get3A_319 = arith.constant 192 : index
          %get3A_320 = tpu.vector_load %arg7[%get3A_318, %get3A_319] {strides = array<i32>} : memref<104x256xf32, #tpu.memory_space<vmem>>, vector<1x16xf32>,
          %get3A_321 = vector.shape_cast %get3A_320 : vector<1x16xf32> to vector<16xf32>
          %add3A_322 = arith.addf %scan3A_252, %get3A_321 : vector<16xf32>
          %get3A_323 = arith.index_cast %add3A_258 : i32 to index
          %get3A_324 = arith.constant 208 : index
          %get3A_325 = tpu.vector_load %arg7[%get3A_323, %get3A_324] {strides = array<i32>} : memref<104x256xf32, #tpu.memory_space<vmem>>, vector<1x16xf32>,
          %get3A_326 = vector.shape_cast %get3A_325 : vector<1x16xf32> to vector<16xf32>
          %add3A_327 = arith.addf %scan3A_253, %get3A_326 : vector<16xf32>
          %get3A_328 = arith.index_cast %add3A_258 : i32 to index
          %get3A_329 = arith.constant 224 : index
          %get3A_330 = tpu.vector_load %arg7[%get3A_328, %get3A_329] {strides = array<i32>} : memref<104x256xf32, #tpu.memory_space<vmem>>, vector<1x16xf32>,
          %get3A_331 = vector.shape_cast %get3A_330 : vector<1x16xf32> to vector<16xf32>
          %add3A_332 = arith.addf %scan3A_254, %get3A_331 : vector<16xf32>
          %get3A_333 = arith.index_cast %add3A_258 : i32 to index
          %get3A_334 = arith.constant 240 : index
          %get3A_335 = tpu.vector_load %arg7[%get3A_333, %get3A_334] {strides = array<i32>} : memref<104x256xf32, #tpu.memory_space<vmem>>, vector<1x16xf32>,
          %get3A_336 = vector.shape_cast %get3A_335 : vector<1x16xf32> to vector<16xf32>
          %add3A_337 = arith.addf %scan3A_255, %get3A_336 : vector<16xf32>
          scf.yield %add3A_262, %add3A_267, %add3A_272, %add3A_277, %add3A_282, %add3A_287, %add3A_292, %add3A_297, %add3A_302, %add3A_307, %add3A_312, %add3A_317, %add3A_322, %add3A_327, %add3A_332, %add3A_337 : vector<16xf32>, vector<16xf32>, vector<16xf32>, vector<16xf32>, vector<16xf32>, vector<16xf32>, vector<16xf32>, vector<16xf32>, vector<16xf32>, vector<16xf32>, vector<16xf32>, vector<16xf32>, vector<16xf32>, vector<16xf32>, vector<16xf32>, vector<16xf32>
        }
        %scan3A_139 = arith.constant 26 : i32
        %jit3A_140 = arith.constant 16 : i32
        %eq3A_141 = arith.constant 0 : i32
        %eq3A_142 = arith.cmpi eq, %jit3A_140, %eq3A_141 : i32
        %jit3A_143 = arith.constant 1 : i32
        %select_n3A_144 = arith.select %eq3A_142, %jit3A_143, %jit3A_140 : i32
        %rem3A_145 = arith.remsi %add3A_58, %select_n3A_144 : i32
        %ne3A_146 = arith.constant 0 : i32
        %ne3A_147 = arith.cmpi ne, %rem3A_145, %ne3A_146 : i32
        %lt3A_148 = arith.constant 0 : i32
        %lt3A_149 = arith.cmpi slt, %rem3A_145, %lt3A_148 : i32
        %lt3A_150 = arith.constant 0 : i32
        %lt3A_151 = arith.cmpi slt, %select_n3A_144, %lt3A_150 : i32
        %ne3A_152 = arith.xori %lt3A_149, %lt3A_151 : i1
        %and3A_153 = arith.andi %ne3A_152, %ne3A_147 : i1
        %add3A_154 = arith.addi %rem3A_145, %select_n3A_144 : i32
        %select_n3A_155 = arith.select %and3A_153, %add3A_154, %rem3A_145 : i32
        %mul3A_156 = arith.constant 4 : i32
        %mul3A_157 = arith.muli %select_n3A_155, %mul3A_156 : i32
        %add3A_158 = arith.addi %mul3A_157, %scan3A_101 : i32
        %swap3A = arith.index_cast %add3A_158 : i32 to index
        %swap3A_159 = arith.constant 0 : index
        %swap3A_160 = tpu.vector_load %arg8[%swap3A, %swap3A_159] {strides = array<i32>} : memref<64x256xf32, #tpu.memory_space<vmem>>, vector<1x16xf32>,
        %swap3A_161 = vector.shape_cast %swap3A_160 : vector<1x16xf32> to vector<16xf32>
        %swap3A_162 = vector.shape_cast %scan3A_138#0 : vector<16xf32> to vector<1x16xf32>
        tpu.vector_store %arg8[%swap3A, %swap3A_159], %swap3A_162 {strides = array<i32>} : memref<64x256xf32, #tpu.memory_space<vmem>>, vector<1x16xf32>,
        %swap3A_163 = arith.index_cast %add3A_158 : i32 to index
        %swap3A_164 = arith.constant 16 : index
        %swap3A_165 = tpu.vector_load %arg8[%swap3A_163, %swap3A_164] {strides = array<i32>} : memref<64x256xf32, #tpu.memory_space<vmem>>, vector<1x16xf32>,
        %swap3A_166 = vector.shape_cast %swap3A_165 : vector<1x16xf32> to vector<16xf32>
        %swap3A_167 = vector.shape_cast %scan3A_138#1 : vector<16xf32> to vector<1x16xf32>
        tpu.vector_store %arg8[%swap3A_163, %swap3A_164], %swap3A_167 {strides = array<i32>} : memref<64x256xf32, #tpu.memory_space<vmem>>, vector<1x16xf32>,
        %swap3A_168 = arith.index_cast %add3A_158 : i32 to index
        %swap3A_169 = arith.constant 32 : index
        %swap3A_170 = tpu.vector_load %arg8[%swap3A_168, %swap3A_169] {strides = array<i32>} : memref<64x256xf32, #tpu.memory_space<vmem>>, vector<1x16xf32>,
        %swap3A_171 = vector.shape_cast %swap3A_170 : vector<1x16xf32> to vector<16xf32>
        %swap3A_172 = vector.shape_cast %scan3A_138#2 : vector<16xf32> to vector<1x16xf32>
        tpu.vector_store %arg8[%swap3A_168, %swap3A_169], %swap3A_172 {strides = array<i32>} : memref<64x256xf32, #tpu.memory_space<vmem>>, vector<1x16xf32>,
        %swap3A_173 = arith.index_cast %add3A_158 : i32 to index
        %swap3A_174 = arith.constant 48 : index
        %swap3A_175 = tpu.vector_load %arg8[%swap3A_173, %swap3A_174] {strides = array<i32>} : memref<64x256xf32, #tpu.memory_space<vmem>>, vector<1x16xf32>,
        %swap3A_176 = vector.shape_cast %swap3A_175 : vector<1x16xf32> to vector<16xf32>
        %swap3A_177 = vector.shape_cast %scan3A_138#3 : vector<16xf32> to vector<1x16xf32>
        tpu.vector_store %arg8[%swap3A_173, %swap3A_174], %swap3A_177 {strides = array<i32>} : memref<64x256xf32, #tpu.memory_space<vmem>>, vector<1x16xf32>,
        %swap3A_178 = arith.index_cast %add3A_158 : i32 to index
        %swap3A_179 = arith.constant 64 : index
        %swap3A_180 = tpu.vector_load %arg8[%swap3A_178, %swap3A_179] {strides = array<i32>} : memref<64x256xf32, #tpu.memory_space<vmem>>, vector<1x16xf32>,
        %swap3A_181 = vector.shape_cast %swap3A_180 : vector<1x16xf32> to vector<16xf32>
        %swap3A_182 = vector.shape_cast %scan3A_138#4 : vector<16xf32> to vector<1x16xf32>
        tpu.vector_store %arg8[%swap3A_178, %swap3A_179], %swap3A_182 {strides = array<i32>} : memref<64x256xf32, #tpu.memory_space<vmem>>, vector<1x16xf32>,
        %swap3A_183 = arith.index_cast %add3A_158 : i32 to index
        %swap3A_184 = arith.constant 80 : index
        %swap3A_185 = tpu.vector_load %arg8[%swap3A_183, %swap3A_184] {strides = array<i32>} : memref<64x256xf32, #tpu.memory_space<vmem>>, vector<1x16xf32>,
        %swap3A_186 = vector.shape_cast %swap3A_185 : vector<1x16xf32> to vector<16xf32>
        %swap3A_187 = vector.shape_cast %scan3A_138#5 : vector<16xf32> to vector<1x16xf32>
        tpu.vector_store %arg8[%swap3A_183, %swap3A_184], %swap3A_187 {strides = array<i32>} : memref<64x256xf32, #tpu.memory_space<vmem>>, vector<1x16xf32>,
        %swap3A_188 = arith.index_cast %add3A_158 : i32 to index
        %swap3A_189 = arith.constant 96 : index
        %swap3A_190 = tpu.vector_load %arg8[%swap3A_188, %swap3A_189] {strides = array<i32>} : memref<64x256xf32, #tpu.memory_space<vmem>>, vector<1x16xf32>,
        %swap3A_191 = vector.shape_cast %swap3A_190 : vector<1x16xf32> to vector<16xf32>
        %swap3A_192 = vector.shape_cast %scan3A_138#6 : vector<16xf32> to vector<1x16xf32>
        tpu.vector_store %arg8[%swap3A_188, %swap3A_189], %swap3A_192 {strides = array<i32>} : memref<64x256xf32, #tpu.memory_space<vmem>>, vector<1x16xf32>,
        %swap3A_193 = arith.index_cast %add3A_158 : i32 to index
        %swap3A_194 = arith.constant 112 : index
        %swap3A_195 = tpu.vector_load %arg8[%swap3A_193, %swap3A_194] {strides = array<i32>} : memref<64x256xf32, #tpu.memory_space<vmem>>, vector<1x16xf32>,
        %swap3A_196 = vector.shape_cast %swap3A_195 : vector<1x16xf32> to vector<16xf32>
        %swap3A_197 = vector.shape_cast %scan3A_138#7 : vector<16xf32> to vector<1x16xf32>
        tpu.vector_store %arg8[%swap3A_193, %swap3A_194], %swap3A_197 {strides = array<i32>} : memref<64x256xf32, #tpu.memory_space<vmem>>, vector<1x16xf32>,
        %swap3A_198 = arith.index_cast %add3A_158 : i32 to index
        %swap3A_199 = arith.constant 128 : index
        %swap3A_200 = tpu.vector_load %arg8[%swap3A_198, %swap3A_199] {strides = array<i32>} : memref<64x256xf32, #tpu.memory_space<vmem>>, vector<1x16xf32>,
        %swap3A_201 = vector.shape_cast %swap3A_200 : vector<1x16xf32> to vector<16xf32>
        %swap3A_202 = vector.shape_cast %scan3A_138#8 : vector<16xf32> to vector<1x16xf32>
        tpu.vector_store %arg8[%swap3A_198, %swap3A_199], %swap3A_202 {strides = array<i32>} : memref<64x256xf32, #tpu.memory_space<vmem>>, vector<1x16xf32>,
        %swap3A_203 = arith.index_cast %add3A_158 : i32 to index
        %swap3A_204 = arith.constant 144 : index
        %swap3A_205 = tpu.vector_load %arg8[%swap3A_203, %swap3A_204] {strides = array<i32>} : memref<64x256xf32, #tpu.memory_space<vmem>>, vector<1x16xf32>,
        %swap3A_206 = vector.shape_cast %swap3A_205 : vector<1x16xf32> to vector<16xf32>
        %swap3A_207 = vector.shape_cast %scan3A_138#9 : vector<16xf32> to vector<1x16xf32>
        tpu.vector_store %arg8[%swap3A_203, %swap3A_204], %swap3A_207 {strides = array<i32>} : memref<64x256xf32, #tpu.memory_space<vmem>>, vector<1x16xf32>,
        %swap3A_208 = arith.index_cast %add3A_158 : i32 to index
        %swap3A_209 = arith.constant 160 : index
        %swap3A_210 = tpu.vector_load %arg8[%swap3A_208, %swap3A_209] {strides = array<i32>} : memref<64x256xf32, #tpu.memory_space<vmem>>, vector<1x16xf32>,
        %swap3A_211 = vector.shape_cast %swap3A_210 : vector<1x16xf32> to vector<16xf32>
        %swap3A_212 = vector.shape_cast %scan3A_138#10 : vector<16xf32> to vector<1x16xf32>
        tpu.vector_store %arg8[%swap3A_208, %swap3A_209], %swap3A_212 {strides = array<i32>} : memref<64x256xf32, #tpu.memory_space<vmem>>, vector<1x16xf32>,
        %swap3A_213 = arith.index_cast %add3A_158 : i32 to index
        %swap3A_214 = arith.constant 176 : index
        %swap3A_215 = tpu.vector_load %arg8[%swap3A_213, %swap3A_214] {strides = array<i32>} : memref<64x256xf32, #tpu.memory_space<vmem>>, vector<1x16xf32>,
        %swap3A_216 = vector.shape_cast %swap3A_215 : vector<1x16xf32> to vector<16xf32>
        %swap3A_217 = vector.shape_cast %scan3A_138#11 : vector<16xf32> to vector<1x16xf32>
        tpu.vector_store %arg8[%swap3A_213, %swap3A_214], %swap3A_217 {strides = array<i32>} : memref<64x256xf32, #tpu.memory_space<vmem>>, vector<1x16xf32>,
        %swap3A_218 = arith.index_cast %add3A_158 : i32 to index
        %swap3A_219 = arith.constant 192 : index
        %swap3A_220 = tpu.vector_load %arg8[%swap3A_218, %swap3A_219] {strides = array<i32>} : memref<64x256xf32, #tpu.memory_space<vmem>>, vector<1x16xf32>,
        %swap3A_221 = vector.shape_cast %swap3A_220 : vector<1x16xf32> to vector<16xf32>
        %swap3A_222 = vector.shape_cast %scan3A_138#12 : vector<16xf32> to vector<1x16xf32>
        tpu.vector_store %arg8[%swap3A_218, %swap3A_219], %swap3A_222 {strides = array<i32>} : memref<64x256xf32, #tpu.memory_space<vmem>>, vector<1x16xf32>,
        %swap3A_223 = arith.index_cast %add3A_158 : i32 to index
        %swap3A_224 = arith.constant 208 : index
        %swap3A_225 = tpu.vector_load %arg8[%swap3A_223, %swap3A_224] {strides = array<i32>} : memref<64x256xf32, #tpu.memory_space<vmem>>, vector<1x16xf32>,
        %swap3A_226 = vector.shape_cast %swap3A_225 : vector<1x16xf32> to vector<16xf32>
        %swap3A_227 = vector.shape_cast %scan3A_138#13 : vector<16xf32> to vector<1x16xf32>
        tpu.vector_store %arg8[%swap3A_223, %swap3A_224], %swap3A_227 {strides = array<i32>} : memref<64x256xf32, #tpu.memory_space<vmem>>, vector<1x16xf32>,
        %swap3A_228 = arith.index_cast %add3A_158 : i32 to index
        %swap3A_229 = arith.constant 224 : index
        %swap3A_230 = tpu.vector_load %arg8[%swap3A_228, %swap3A_229] {strides = array<i32>} : memref<64x256xf32, #tpu.memory_space<vmem>>, vector<1x16xf32>,
        %swap3A_231 = vector.shape_cast %swap3A_230 : vector<1x16xf32> to vector<16xf32>
        %swap3A_232 = vector.shape_cast %scan3A_138#14 : vector<16xf32> to vector<1x16xf32>
        tpu.vector_store %arg8[%swap3A_228, %swap3A_229], %swap3A_232 {strides = array<i32>} : memref<64x256xf32, #tpu.memory_space<vmem>>, vector<1x16xf32>,
        %swap3A_233 = arith.index_cast %add3A_158 : i32 to index
        %swap3A_234 = arith.constant 240 : index
        %swap3A_235 = tpu.vector_load %arg8[%swap3A_233, %swap3A_234] {strides = array<i32>} : memref<64x256xf32, #tpu.memory_space<vmem>>, vector<1x16xf32>,
        %swap3A_236 = vector.shape_cast %swap3A_235 : vector<1x16xf32> to vector<16xf32>
        %swap3A_237 = vector.shape_cast %scan3A_138#15 : vector<16xf32> to vector<1x16xf32>
        tpu.vector_store %arg8[%swap3A_233, %swap3A_234], %swap3A_237 {strides = array<i32>} : memref<64x256xf32, #tpu.memory_space<vmem>>, vector<1x16xf32>,
        %scan3A_238 = arith.constant 0 : i32
        scf.yield %scan3A_238 : i32
      }
      %scan3A_71 = arith.constant 4 : i32
      %add3A_72 = arith.constant 2 : i32
      %add3A_73 = arith.addi %add3A_58, %add3A_72 : i32
      %lt3A_74 = arith.constant 128 : i32
      %lt3A_75 = arith.cmpi slt, %add3A_73, %lt3A_74 : i32
      %convert_element_type3A_76 = arith.extui %lt3A_75 : i1 to i32
      %cond3A_77 = arith.constant 0 : i32
      %cond3A_78 = arith.cmpi ne, %convert_element_type3A_76, %cond3A_77 : i32
      scf.if %cond3A_78 {
        %add3A_101 = arith.constant 2 : i32
        %add3A_102 = arith.addi %add3A_58, %add3A_101 : i32
        %dma_start3A_103 = arith.constant 0 : i32
        %dma_start3A_104 = tpu.memref_slice %arg5[%add3A_102, %dma_start3A_103] : memref<128x104xi32, #tpu.memory_space<vmem>> -> memref<1x104xi32, #tpu.memory_space<vmem>>
        %dma_start3A_105 = tpu.memref_squeeze %dma_start3A_104 : memref<1x104xi32, #tpu.memory_space<vmem>> -> memref<104xi32, #tpu.memory_space<vmem>>
        %dma_start3A_106 = arith.constant 0 : i32
        %dma_start3A_107 = arith.constant 0 : i32
        %dma_start3A_108 = tpu.memref_slice %arg2[%dma_start3A_106, %dma_start3A_107] : memref<26000x256xf32, #tpu.memory_space<hbm>> -> memref<26000x256xf32, #tpu.memory_space<hbm>>
        tpu.enqueue_indirect_dma source(%dma_start3A_108 : memref<26000x256xf32, #tpu.memory_space<hbm>>) target(%arg7 : memref<104x256xf32, #tpu.memory_space<vmem>>) offsets(%dma_start3A_105 : memref<104xi32, #tpu.memory_space<vmem>>) semaphore(%arg10 : memref<!tpu.dma_semaphore, #tpu.memory_space<semaphore_mem>>)
      } else {
      }
      %jit3A_79 = arith.constant 16 : i32
      %eq3A_80 = arith.constant 0 : i32
      %eq3A_81 = arith.cmpi eq, %jit3A_79, %eq3A_80 : i32
      %jit3A_82 = arith.constant 1 : i32
      %select_n3A_83 = arith.select %eq3A_81, %jit3A_82, %jit3A_79 : i32
      %rem3A_84 = arith.remsi %add3A_58, %select_n3A_83 : i32
      %ne3A_85 = arith.constant 0 : i32
      %ne3A_86 = arith.cmpi ne, %rem3A_84, %ne3A_85 : i32
      %lt3A_87 = arith.constant 0 : i32
      %lt3A_88 = arith.cmpi slt, %rem3A_84, %lt3A_87 : i32
      %lt3A_89 = arith.constant 0 : i32
      %lt3A_90 = arith.cmpi slt, %select_n3A_83, %lt3A_89 : i32
      %ne3A_91 = arith.xori %lt3A_88, %lt3A_90 : i1
      %and3A_92 = arith.andi %ne3A_91, %ne3A_86 : i1
      %add3A_93 = arith.addi %rem3A_84, %select_n3A_83 : i32
      %select_n3A_94 = arith.select %and3A_92, %add3A_93, %rem3A_84 : i32
      %eq3A_95 = arith.constant 15 : i32
      %eq3A_96 = arith.cmpi eq, %select_n3A_94, %eq3A_95 : i32
      %convert_element_type3A_97 = arith.extui %eq3A_96 : i1 to i32
      %cond3A_98 = arith.constant 0 : i32
      %cond3A_99 = arith.cmpi ne, %convert_element_type3A_97, %cond3A_98 : i32
      scf.if %cond3A_99 {
        %jit3A_101 = arith.constant 16 : i32
        %div3A = arith.divsi %add3A_58, %jit3A_101 : i32
        %sign3A = arith.constant 0 : i32
        %sign3A_102 = arith.cmpi sgt, %add3A_58, %sign3A : i32
        %sign3A_103 = arith.extui %sign3A_102 : i1 to i32
        %sign3A_104 = arith.constant 0 : i32
        %sign3A_105 = arith.cmpi slt, %add3A_58, %sign3A_104 : i32
        %sign3A_106 = arith.extui %sign3A_105 : i1 to i32
        %sign3A_107 = arith.subi %sign3A_103, %sign3A_106 : i32
        %sign3A_108 = arith.constant 0 : i32
        %sign3A_109 = arith.cmpi sgt, %jit3A_101, %sign3A_108 : i32
        %sign3A_110 = arith.extui %sign3A_109 : i1 to i32
        %sign3A_111 = arith.constant 0 : i32
        %sign3A_112 = arith.cmpi slt, %jit3A_101, %sign3A_111 : i32
        %sign3A_113 = arith.extui %sign3A_112 : i1 to i32
        %sign3A_114 = arith.subi %sign3A_110, %sign3A_113 : i32
        %ne3A_115 = arith.cmpi ne, %sign3A_107, %sign3A_114 : i32
        %rem3A_116 = arith.remsi %add3A_58, %jit3A_101 : i32
        %ne3A_117 = arith.constant 0 : i32
        %ne3A_118 = arith.cmpi ne, %rem3A_116, %ne3A_117 : i32
        %and3A_119 = arith.andi %ne3A_115, %ne3A_118 : i1
        %sub3A = arith.constant 1 : i32
        %sub3A_120 = arith.subi %div3A, %sub3A : i32
        %select_n3A_121 = arith.select %and3A_119, %sub3A_120, %div3A : i32
        %mul3A_122 = arith.constant 512 : i32
        %mul3A_123 = arith.muli %add3A, %mul3A_122 : i32
        %mul3A_124 = arith.constant 64 : i32
        %mul3A_125 = arith.muli %select_n3A_121, %mul3A_124 : i32
        %add3A_126 = arith.addi %mul3A_123, %mul3A_125 : i32
        "tpu.region"() ({
          %run_scoped3A = tpu.sem_alloc : memref<!tpu.dma_semaphore, #tpu.memory_space<semaphore_mem>>
          %dma_start3A_127 = arith.constant 0 : i32
          %dma_start3A_128 = tpu.memref_slice %arg4[%add3A_126, %dma_start3A_127] : memref<16384x256xf32, #tpu.memory_space<hbm>> -> memref<64x256xf32, #tpu.memory_space<hbm>>
          %dma_start3A_129 = arith.constant 0 : i32
          %dma_start3A_130 = tpu.memref_slice %arg4[%add3A_126, %dma_start3A_129] : memref<16384x256xf32, #tpu.memory_space<hbm>> -> memref<64x256xf32, #tpu.memory_space<hbm>>
          tpu.enqueue_dma source(%arg8 : memref<64x256xf32, #tpu.memory_space<vmem>>) target(%dma_start3A_130 : memref<64x256xf32, #tpu.memory_space<hbm>>) target_semaphore(%run_scoped3A : memref<!tpu.dma_semaphore, #tpu.memory_space<semaphore_mem>>)
          %dma_wait3A_131 = arith.constant 0 : i32
          %dma_wait3A_132 = tpu.memref_slice %arg4[%add3A_126, %dma_wait3A_131] : memref<16384x256xf32, #tpu.memory_space<hbm>> -> memref<64x256xf32, #tpu.memory_space<hbm>>
          %dma_wait3A_133 = arith.constant 0 : i32
          %dma_wait3A_134 = tpu.memref_slice %arg4[%add3A_126, %dma_wait3A_133] : memref<16384x256xf32, #tpu.memory_space<hbm>> -> memref<64x256xf32, #tpu.memory_space<hbm>>
          tpu.wait_dma2 semaphore(%run_scoped3A : memref<!tpu.dma_semaphore, #tpu.memory_space<semaphore_mem>>) src(%arg8 : memref<64x256xf32, #tpu.memory_space<vmem>>) dst(%dma_wait3A_134 : memref<64x256xf32, #tpu.memory_space<hbm>>)
          tpu.yield
        }) : () -> ()
      } else {
      }
      %scan3A_100 = arith.constant 0 : i32
      scf.yield %scan3A_100 : i32
    }
    %scan3A_19 = arith.constant 64 : i32
    return
  }
}

module attributes {stable_mosaic.version = 14 : i64} {
  func.func @_proj_body(%arg0: i32, %arg1: memref<1x1000x500xf32, #tpu.memory_space<vmem>>, %arg2: memref<1x500x256xf32, #tpu.memory_space<vmem>>, %arg3: memref<1x1000x256xf32, #tpu.memory_space<vmem>>) attributes {dimension_semantics = [#tpu.dimension_semantics<arbitrary>], iteration_bounds = array<i64: 26>, scalar_prefetch = 0 : i64, scratch_operands = 0 : i64, tpu.core_type = #tpu.core_type<tc>, window_params = [{transform_indices = @transform_0, window_bounds = array<i64: 1, 1000, 500>}, {transform_indices = @transform_1, window_bounds = array<i64: 1, 500, 256>}, {transform_indices = @transform_2, window_bounds = array<i64: 1, 1000, 256>}]} {
    %get3A = arith.constant 0 : index
    %get3A_0 = arith.constant 0 : index
    %get3A_1 = arith.constant 0 : index
    %get3A_2 = vector.load %arg1[%get3A, %get3A_0, %get3A_1] : memref<1x1000x500xf32, #tpu.memory_space<vmem>>, vector<1x1000x500xf32>
    %get3A_3 = vector.shape_cast %get3A_2 : vector<1x1000x500xf32> to vector<1000x500xf32>
    %get3A_4 = arith.constant 0 : index
    %get3A_5 = arith.constant 0 : index
    %get3A_6 = arith.constant 0 : index
    %get3A_7 = vector.load %arg2[%get3A_4, %get3A_5, %get3A_6] : memref<1x500x256xf32, #tpu.memory_space<vmem>>, vector<1x500x256xf32>
    %get3A_8 = vector.shape_cast %get3A_7 : vector<1x500x256xf32> to vector<500x256xf32>
    %dot_general3A = arith.constant dense<0.000000e+00> : vector<1000x256xf32>
    %dot_general3A_9 = tpu.matmul %get3A_3, %get3A_8, %dot_general3A {dimension_numbers = #tpu.dot_dimension_numbers<[1], [0], [0], [1], [0, 0, 1, 1], [], []>, transpose_lhs_hint = false} : vector<1000x500xf32>, vector<500x256xf32>, vector<1000x256xf32> -> vector<1000x256xf32>
    %swap3A = arith.constant 0 : index
    %swap3A_10 = arith.constant 0 : index
    %swap3A_11 = arith.constant 0 : index
    %swap3A_12 = vector.load %arg3[%swap3A, %swap3A_10, %swap3A_11] : memref<1x1000x256xf32, #tpu.memory_space<vmem>>, vector<1x1000x256xf32>
    %swap3A_13 = vector.shape_cast %swap3A_12 : vector<1x1000x256xf32> to vector<1000x256xf32>
    %swap3A_14 = vector.shape_cast %dot_general3A_9 : vector<1000x256xf32> to vector<1x1000x256xf32>
    tpu.vector_store %arg3[%swap3A, %swap3A_10, %swap3A_11], %swap3A_14 {strides = array<i32>} : memref<1x1000x256xf32, #tpu.memory_space<vmem>>, vector<1x1000x256xf32>,
    return
  }
  func.func @transform_0(%arg0: i32) -> (i32, i32, i32) {
    %c0_i32 = arith.constant 0 : i32
    %c0_i32_0 = arith.constant 0 : i32
    %c0_i32_1 = arith.constant 0 : i32
    return %arg0, %c0_i32, %c0_i32_0 : i32, i32, i32
  }
  func.func @transform_1(%arg0: i32) -> (i32, i32, i32) {
    %c0_i32 = arith.constant 0 : i32
    %c0_i32_0 = arith.constant 0 : i32
    %c0_i32_1 = arith.constant 0 : i32
    return %arg0, %c0_i32, %c0_i32_0 : i32, i32, i32
  }
  func.func @transform_2(%arg0: i32) -> (i32, i32, i32) {
    %c0_i32 = arith.constant 0 : i32
    %c0_i32_0 = arith.constant 0 : i32
    %c0_i32_1 = arith.constant 0 : i32
    return %arg0, %c0_i32, %c0_i32_0 : i32, i32, i32
  }
}

module attributes {stable_mosaic.version = 14 : i64} {
  func.func @_layer12_body(%arg0: i32, %arg1: memref<2048x256xf32, #tpu.memory_space<vmem>>, %arg2: memref<2048x13xf32, #tpu.memory_space<vmem>>, %arg3: memref<13x256xf32, #tpu.memory_space<vmem>>, %arg4: memref<1x256xf32, #tpu.memory_space<vmem>>, %arg5: memref<1x256xf32, #tpu.memory_space<vmem>>, %arg6: memref<1x256xf32, #tpu.memory_space<vmem>>, %arg7: memref<2x256xf32, #tpu.memory_space<vmem>>, %arg8: memref<256x128xf32, #tpu.memory_space<vmem>>, %arg9: memref<1x128xf32, #tpu.memory_space<vmem>>, %arg10: memref<2048x128xf32, #tpu.memory_space<vmem>>, %arg11: memref<2x128xf32, #tpu.memory_space<vmem>>) attributes {dimension_semantics = [#tpu.dimension_semantics<arbitrary>], iteration_bounds = array<i64: 8>, scalar_prefetch = 0 : i64, scratch_operands = 0 : i64, tpu.core_type = #tpu.core_type<tc>, window_params = [{transform_indices = @transform_0, window_bounds = array<i64: 2048, 256>}, {transform_indices = @transform_1, window_bounds = array<i64: 2048, 13>}, {pipeline_mode = #tpu.pipeline_mode<synchronous>, transform_indices = @transform_2, window_bounds = array<i64: 13, 256>}, {pipeline_mode = #tpu.pipeline_mode<synchronous>, transform_indices = @transform_3, window_bounds = array<i64: 1, 256>}, {pipeline_mode = #tpu.pipeline_mode<synchronous>, transform_indices = @transform_4, window_bounds = array<i64: 1, 256>}, {pipeline_mode = #tpu.pipeline_mode<synchronous>, transform_indices = @transform_5, window_bounds = array<i64: 1, 256>}, {pipeline_mode = #tpu.pipeline_mode<synchronous>, transform_indices = @transform_6, window_bounds = array<i64: 2, 256>}, {pipeline_mode = #tpu.pipeline_mode<synchronous>, transform_indices = @transform_7, window_bounds = array<i64: 256, 128>}, {pipeline_mode = #tpu.pipeline_mode<synchronous>, transform_indices = @transform_8, window_bounds = array<i64: 1, 128>}, {transform_indices = @transform_9, window_bounds = array<i64: 2048, 128>}, {pipeline_mode = #tpu.pipeline_mode<synchronous>, transform_indices = @transform_10, window_bounds = array<i64: 2, 128>}]} {
    %get3A = arith.constant 0 : index
    %get3A_0 = arith.constant 0 : index
    %get3A_1 = vector.load %arg1[%get3A, %get3A_0] : memref<2048x256xf32, #tpu.memory_space<vmem>>, vector<2048x256xf32>
    %get3A_2 = arith.constant 0 : index
    %get3A_3 = arith.constant 0 : index
    %get3A_4 = vector.load %arg2[%get3A_2, %get3A_3] : memref<2048x13xf32, #tpu.memory_space<vmem>>, vector<2048x13xf32>
    %get3A_5 = arith.constant 0 : index
    %get3A_6 = arith.constant 0 : index
    %get3A_7 = vector.load %arg3[%get3A_5, %get3A_6] : memref<13x256xf32, #tpu.memory_space<vmem>>, vector<13x256xf32>
    %dot_general3A = arith.constant dense<0.000000e+00> : vector<2048x256xf32>
    %dot_general3A_8 = tpu.matmul %get3A_4, %get3A_7, %dot_general3A {dimension_numbers = #tpu.dot_dimension_numbers<[1], [0], [0], [1], [0, 0, 1, 1], [], []>, transpose_lhs_hint = false} : vector<2048x13xf32>, vector<13x256xf32>, vector<2048x256xf32> -> vector<2048x256xf32>
    %add3A = arith.addf %get3A_1, %dot_general3A_8 : vector<2048x256xf32>
    %get3A_9 = arith.constant 0 : index
    %get3A_10 = arith.constant 0 : index
    %get3A_11 = vector.load %arg4[%get3A_9, %get3A_10] : memref<1x256xf32, #tpu.memory_space<vmem>>, vector<1x256xf32>
    %add3A_12 = vector.broadcast %get3A_11 : vector<1x256xf32> to vector<2048x256xf32>
    %add3A_13 = arith.addf %add3A, %add3A_12 : vector<2048x256xf32>
    %get3A_14 = arith.constant 0 : index
    %get3A_15 = arith.constant 0 : index
    %get3A_16 = vector.load %arg7[%get3A_14, %get3A_15] : memref<2x256xf32, #tpu.memory_space<vmem>>, vector<1x256xf32>
    %mul3A = arith.constant 6.10351563E-5 : f32
    %mul3A_17 = vector.broadcast %mul3A : f32 to vector<1x256xf32>
    %mul3A_18 = arith.mulf %get3A_16, %mul3A_17 : vector<1x256xf32>
    %get3A_19 = arith.constant 1 : index
    %get3A_20 = arith.constant 0 : index
    %get3A_21 = vector.load %arg7[%get3A_19, %get3A_20] : memref<2x256xf32, #tpu.memory_space<vmem>>, vector<1x256xf32>
    %mul3A_22 = arith.constant 6.10351563E-5 : f32
    %mul3A_23 = vector.broadcast %mul3A_22 : f32 to vector<1x256xf32>
    %mul3A_24 = arith.mulf %get3A_21, %mul3A_23 : vector<1x256xf32>
    %mul3A_25 = arith.mulf %mul3A_18, %mul3A_18 : vector<1x256xf32>
    %sub3A = arith.subf %mul3A_24, %mul3A_25 : vector<1x256xf32>
    %sub3A_26 = vector.broadcast %mul3A_18 : vector<1x256xf32> to vector<2048x256xf32>
    %sub3A_27 = arith.subf %add3A_13, %sub3A_26 : vector<2048x256xf32>
    %add3A_28 = arith.constant 9.99999974E-6 : f32
    %add3A_29 = vector.broadcast %add3A_28 : f32 to vector<1x256xf32>
    %add3A_30 = arith.addf %sub3A, %add3A_29 : vector<1x256xf32>
    %sqrt3A = math.sqrt %add3A_30 : vector<1x256xf32>
    %div3A = vector.broadcast %sqrt3A : vector<1x256xf32> to vector<2048x256xf32>
    %div3A_31 = arith.divf %sub3A_27, %div3A : vector<2048x256xf32>
    %get3A_32 = arith.constant 0 : index
    %get3A_33 = arith.constant 0 : index
    %get3A_34 = vector.load %arg5[%get3A_32, %get3A_33] : memref<1x256xf32, #tpu.memory_space<vmem>>, vector<1x256xf32>
    %mul3A_35 = vector.broadcast %get3A_34 : vector<1x256xf32> to vector<2048x256xf32>
    %mul3A_36 = arith.mulf %div3A_31, %mul3A_35 : vector<2048x256xf32>
    %get3A_37 = arith.constant 0 : index
    %get3A_38 = arith.constant 0 : index
    %get3A_39 = vector.load %arg6[%get3A_37, %get3A_38] : memref<1x256xf32, #tpu.memory_space<vmem>>, vector<1x256xf32>
    %add3A_40 = vector.broadcast %get3A_39 : vector<1x256xf32> to vector<2048x256xf32>
    %add3A_41 = arith.addf %mul3A_36, %add3A_40 : vector<2048x256xf32>
    %max3A = arith.constant 0.000000e+00 : f32
    %max3A_42 = vector.broadcast %max3A : f32 to vector<2048x256xf32>
    %max3A_43 = arith.maximumf %add3A_41, %max3A_42 : vector<2048x256xf32>
    %get3A_44 = arith.constant 0 : index
    %get3A_45 = arith.constant 0 : index
    %get3A_46 = vector.load %arg8[%get3A_44, %get3A_45] : memref<256x128xf32, #tpu.memory_space<vmem>>, vector<256x128xf32>
    %dot_general3A_47 = arith.constant dense<0.000000e+00> : vector<2048x128xf32>
    %dot_general3A_48 = tpu.matmul %max3A_43, %get3A_46, %dot_general3A_47 {dimension_numbers = #tpu.dot_dimension_numbers<[1], [0], [0], [1], [0, 0, 1, 1], [], []>, transpose_lhs_hint = false} : vector<2048x256xf32>, vector<256x128xf32>, vector<2048x128xf32> -> vector<2048x128xf32>
    %get3A_49 = arith.constant 0 : index
    %get3A_50 = arith.constant 0 : index
    %get3A_51 = vector.load %arg9[%get3A_49, %get3A_50] : memref<1x128xf32, #tpu.memory_space<vmem>>, vector<1x128xf32>
    %add3A_52 = vector.broadcast %get3A_51 : vector<1x128xf32> to vector<2048x128xf32>
    %add3A_53 = arith.addf %dot_general3A_48, %add3A_52 : vector<2048x128xf32>
    %swap3A = arith.constant 0 : index
    %swap3A_54 = arith.constant 0 : index
    %swap3A_55 = vector.load %arg10[%swap3A, %swap3A_54] : memref<2048x128xf32, #tpu.memory_space<vmem>>, vector<2048x128xf32>
    tpu.vector_store %arg10[%swap3A, %swap3A_54], %add3A_53 {strides = array<i32>} : memref<2048x128xf32, #tpu.memory_space<vmem>>, vector<2048x128xf32>,
    %eq3A = arith.constant 0 : i32
    %eq3A_56 = arith.cmpi eq, %arg0, %eq3A : i32
    %convert_element_type3A = arith.extui %eq3A_56 : i1 to i32
    %cond3A = arith.constant 0 : i32
    %cond3A_57 = arith.cmpi ne, %convert_element_type3A, %cond3A : i32
    scf.if %cond3A_57 {
      %broadcast_in_dim3A_70 = arith.constant 0.000000e+00 : f32
      %broadcast_in_dim3A_71 = vector.broadcast %broadcast_in_dim3A_70 : f32 to vector<2x128xf32>
      %swap3A_72 = arith.constant 0 : index
      %swap3A_73 = arith.constant 0 : index
      %swap3A_74 = vector.load %arg11[%swap3A_72, %swap3A_73] : memref<2x128xf32, #tpu.memory_space<vmem>>, vector<2x128xf32>
      tpu.vector_store %arg11[%swap3A_72, %swap3A_73], %broadcast_in_dim3A_71 {strides = array<i32>} : memref<2x128xf32, #tpu.memory_space<vmem>>, vector<2x128xf32>,
    } else {
    }
    %reduce_sum3A = arith.constant dense<0.000000e+00> : vector<128xf32>
    %reduce_sum3A_58 = vector.multi_reduction <add>, %add3A_53, %reduce_sum3A [0] : vector<2048x128xf32> to vector<128xf32>
    %broadcast_in_dim3A = vector.shape_cast %reduce_sum3A_58 : vector<128xf32> to vector<1x128xf32>
    %mul3A_59 = arith.mulf %add3A_53, %add3A_53 : vector<2048x128xf32>
    %reduce_sum3A_60 = arith.constant dense<0.000000e+00> : vector<128xf32>
    %reduce_sum3A_61 = vector.multi_reduction <add>, %mul3A_59, %reduce_sum3A_60 [0] : vector<2048x128xf32> to vector<128xf32>
    %broadcast_in_dim3A_62 = vector.shape_cast %reduce_sum3A_61 : vector<128xf32> to vector<1x128xf32>
    %get3A_63 = arith.constant 0 : index
    %get3A_64 = arith.constant 0 : index
    %get3A_65 = vector.load %arg11[%get3A_63, %get3A_64] : memref<2x128xf32, #tpu.memory_space<vmem>>, vector<2x128xf32>
    %concatenate3A = tpu.concatenate %broadcast_in_dim3A, %broadcast_in_dim3A_62 in 0 : vector<1x128xf32>, vector<1x128xf32> -> vector<2x128xf32>
    %add3A_66 = arith.addf %get3A_65, %concatenate3A : vector<2x128xf32>
    %swap3A_67 = arith.constant 0 : index
    %swap3A_68 = arith.constant 0 : index
    %swap3A_69 = vector.load %arg11[%swap3A_67, %swap3A_68] : memref<2x128xf32, #tpu.memory_space<vmem>>, vector<2x128xf32>
    tpu.vector_store %arg11[%swap3A_67, %swap3A_68], %add3A_66 {strides = array<i32>} : memref<2x128xf32, #tpu.memory_space<vmem>>, vector<2x128xf32>,
    return
  }
  func.func @transform_0(%arg0: i32) -> (i32, i32) {
    %c0_i32 = arith.constant 0 : i32
    %c0_i32_0 = arith.constant 0 : i32
    return %arg0, %c0_i32 : i32, i32
  }
  func.func @transform_1(%arg0: i32) -> (i32, i32) {
    %c0_i32 = arith.constant 0 : i32
    %c0_i32_0 = arith.constant 0 : i32
    return %arg0, %c0_i32 : i32, i32
  }
  func.func @transform_2(%arg0: i32) -> (i32, i32) {
    %c0_i32 = arith.constant 0 : i32
    %c0_i32_0 = arith.constant 0 : i32
    %c0_i32_1 = arith.constant 0 : i32
    return %c0_i32, %c0_i32_0 : i32, i32
  }
  func.func @transform_3(%arg0: i32) -> (i32, i32) {
    %c0_i32 = arith.constant 0 : i32
    %c0_i32_0 = arith.constant 0 : i32
    %c0_i32_1 = arith.constant 0 : i32
    return %c0_i32, %c0_i32_0 : i32, i32
  }
  func.func @transform_4(%arg0: i32) -> (i32, i32) {
    %c0_i32 = arith.constant 0 : i32
    %c0_i32_0 = arith.constant 0 : i32
    %c0_i32_1 = arith.constant 0 : i32
    return %c0_i32, %c0_i32_0 : i32, i32
  }
  func.func @transform_5(%arg0: i32) -> (i32, i32) {
    %c0_i32 = arith.constant 0 : i32
    %c0_i32_0 = arith.constant 0 : i32
    %c0_i32_1 = arith.constant 0 : i32
    return %c0_i32, %c0_i32_0 : i32, i32
  }
  func.func @transform_6(%arg0: i32) -> (i32, i32) {
    %c0_i32 = arith.constant 0 : i32
    %c0_i32_0 = arith.constant 0 : i32
    %c0_i32_1 = arith.constant 0 : i32
    return %c0_i32, %c0_i32_0 : i32, i32
  }
  func.func @transform_7(%arg0: i32) -> (i32, i32) {
    %c0_i32 = arith.constant 0 : i32
    %c0_i32_0 = arith.constant 0 : i32
    %c0_i32_1 = arith.constant 0 : i32
    return %c0_i32, %c0_i32_0 : i32, i32
  }
  func.func @transform_8(%arg0: i32) -> (i32, i32) {
    %c0_i32 = arith.constant 0 : i32
    %c0_i32_0 = arith.constant 0 : i32
    %c0_i32_1 = arith.constant 0 : i32
    return %c0_i32, %c0_i32_0 : i32, i32
  }
  func.func @transform_9(%arg0: i32) -> (i32, i32) {
    %c0_i32 = arith.constant 0 : i32
    %c0_i32_0 = arith.constant 0 : i32
    return %arg0, %c0_i32 : i32, i32
  }
  func.func @transform_10(%arg0: i32) -> (i32, i32) {
    %c0_i32 = arith.constant 0 : i32
    %c0_i32_0 = arith.constant 0 : i32
    %c0_i32_1 = arith.constant 0 : i32
    return %c0_i32, %c0_i32_0 : i32, i32
  }
}

module attributes {stable_mosaic.version = 14 : i64} {
  func.func @_stats1_body(%arg0: i32, %arg1: memref<2048x256xf32, #tpu.memory_space<vmem>>, %arg2: memref<2048x13xf32, #tpu.memory_space<vmem>>, %arg3: memref<13x256xf32, #tpu.memory_space<vmem>>, %arg4: memref<1x256xf32, #tpu.memory_space<vmem>>, %arg5: memref<2x256xf32, #tpu.memory_space<vmem>>) attributes {dimension_semantics = [#tpu.dimension_semantics<arbitrary>], iteration_bounds = array<i64: 8>, scalar_prefetch = 0 : i64, scratch_operands = 0 : i64, tpu.core_type = #tpu.core_type<tc>, window_params = [{transform_indices = @transform_0, window_bounds = array<i64: 2048, 256>}, {transform_indices = @transform_1, window_bounds = array<i64: 2048, 13>}, {pipeline_mode = #tpu.pipeline_mode<synchronous>, transform_indices = @transform_2, window_bounds = array<i64: 13, 256>}, {pipeline_mode = #tpu.pipeline_mode<synchronous>, transform_indices = @transform_3, window_bounds = array<i64: 1, 256>}, {pipeline_mode = #tpu.pipeline_mode<synchronous>, transform_indices = @transform_4, window_bounds = array<i64: 2, 256>}]} {
    %get3A = arith.constant 0 : index
    %get3A_0 = arith.constant 0 : index
    %get3A_1 = vector.load %arg1[%get3A, %get3A_0] : memref<2048x256xf32, #tpu.memory_space<vmem>>, vector<2048x256xf32>
    %get3A_2 = arith.constant 0 : index
    %get3A_3 = arith.constant 0 : index
    %get3A_4 = vector.load %arg2[%get3A_2, %get3A_3] : memref<2048x13xf32, #tpu.memory_space<vmem>>, vector<2048x13xf32>
    %get3A_5 = arith.constant 0 : index
    %get3A_6 = arith.constant 0 : index
    %get3A_7 = vector.load %arg3[%get3A_5, %get3A_6] : memref<13x256xf32, #tpu.memory_space<vmem>>, vector<13x256xf32>
    %dot_general3A = arith.constant dense<0.000000e+00> : vector<2048x256xf32>
    %dot_general3A_8 = tpu.matmul %get3A_4, %get3A_7, %dot_general3A {dimension_numbers = #tpu.dot_dimension_numbers<[1], [0], [0], [1], [0, 0, 1, 1], [], []>, transpose_lhs_hint = false} : vector<2048x13xf32>, vector<13x256xf32>, vector<2048x256xf32> -> vector<2048x256xf32>
    %add3A = arith.addf %get3A_1, %dot_general3A_8 : vector<2048x256xf32>
    %get3A_9 = arith.constant 0 : index
    %get3A_10 = arith.constant 0 : index
    %get3A_11 = vector.load %arg4[%get3A_9, %get3A_10] : memref<1x256xf32, #tpu.memory_space<vmem>>, vector<1x256xf32>
    %add3A_12 = vector.broadcast %get3A_11 : vector<1x256xf32> to vector<2048x256xf32>
    %add3A_13 = arith.addf %add3A, %add3A_12 : vector<2048x256xf32>
    %eq3A = arith.constant 0 : i32
    %eq3A_14 = arith.cmpi eq, %arg0, %eq3A : i32
    %convert_element_type3A = arith.extui %eq3A_14 : i1 to i32
    %cond3A = arith.constant 0 : i32
    %cond3A_15 = arith.cmpi ne, %convert_element_type3A, %cond3A : i32
    scf.if %cond3A_15 {
      %broadcast_in_dim3A_26 = arith.constant 0.000000e+00 : f32
      %broadcast_in_dim3A_27 = vector.broadcast %broadcast_in_dim3A_26 : f32 to vector<2x256xf32>
      %swap3A_28 = arith.constant 0 : index
      %swap3A_29 = arith.constant 0 : index
      %swap3A_30 = vector.load %arg5[%swap3A_28, %swap3A_29] : memref<2x256xf32, #tpu.memory_space<vmem>>, vector<2x256xf32>
      tpu.vector_store %arg5[%swap3A_28, %swap3A_29], %broadcast_in_dim3A_27 {strides = array<i32>} : memref<2x256xf32, #tpu.memory_space<vmem>>, vector<2x256xf32>,
    } else {
    }
    %reduce_sum3A = arith.constant dense<0.000000e+00> : vector<256xf32>
    %reduce_sum3A_16 = vector.multi_reduction <add>, %add3A_13, %reduce_sum3A [0] : vector<2048x256xf32> to vector<256xf32>
    %broadcast_in_dim3A = vector.shape_cast %reduce_sum3A_16 : vector<256xf32> to vector<1x256xf32>
    %mul3A = arith.mulf %add3A_13, %add3A_13 : vector<2048x256xf32>
    %reduce_sum3A_17 = arith.constant dense<0.000000e+00> : vector<256xf32>
    %reduce_sum3A_18 = vector.multi_reduction <add>, %mul3A, %reduce_sum3A_17 [0] : vector<2048x256xf32> to vector<256xf32>
    %broadcast_in_dim3A_19 = vector.shape_cast %reduce_sum3A_18 : vector<256xf32> to vector<1x256xf32>
    %get3A_20 = arith.constant 0 : index
    %get3A_21 = arith.constant 0 : index
    %get3A_22 = vector.load %arg5[%get3A_20, %get3A_21] : memref<2x256xf32, #tpu.memory_space<vmem>>, vector<2x256xf32>
    %concatenate3A = tpu.concatenate %broadcast_in_dim3A, %broadcast_in_dim3A_19 in 0 : vector<1x256xf32>, vector<1x256xf32> -> vector<2x256xf32>
    %add3A_23 = arith.addf %get3A_22, %concatenate3A : vector<2x256xf32>
    %swap3A = arith.constant 0 : index
    %swap3A_24 = arith.constant 0 : index
    %swap3A_25 = vector.load %arg5[%swap3A, %swap3A_24] : memref<2x256xf32, #tpu.memory_space<vmem>>, vector<2x256xf32>
    tpu.vector_store %arg5[%swap3A, %swap3A_24], %add3A_23 {strides = array<i32>} : memref<2x256xf32, #tpu.memory_space<vmem>>, vector<2x256xf32>,
    return
  }
  func.func @transform_0(%arg0: i32) -> (i32, i32) {
    %c0_i32 = arith.constant 0 : i32
    %c0_i32_0 = arith.constant 0 : i32
    return %arg0, %c0_i32 : i32, i32
  }
  func.func @transform_1(%arg0: i32) -> (i32, i32) {
    %c0_i32 = arith.constant 0 : i32
    %c0_i32_0 = arith.constant 0 : i32
    return %arg0, %c0_i32 : i32, i32
  }
  func.func @transform_2(%arg0: i32) -> (i32, i32) {
    %c0_i32 = arith.constant 0 : i32
    %c0_i32_0 = arith.constant 0 : i32
    %c0_i32_1 = arith.constant 0 : i32
    return %c0_i32, %c0_i32_0 : i32, i32
  }
  func.func @transform_3(%arg0: i32) -> (i32, i32) {
    %c0_i32 = arith.constant 0 : i32
    %c0_i32_0 = arith.constant 0 : i32
    %c0_i32_1 = arith.constant 0 : i32
    return %c0_i32, %c0_i32_0 : i32, i32
  }
  func.func @transform_4(%arg0: i32) -> (i32, i32) {
    %c0_i32 = arith.constant 0 : i32
    %c0_i32_0 = arith.constant 0 : i32
    %c0_i32_1 = arith.constant 0 : i32
    return %c0_i32, %c0_i32_0 : i32, i32
  }
}

module attributes {stable_mosaic.version = 14 : i64} {
  func.func @_head_body(%arg0: i32, %arg1: memref<2048x128xf32, #tpu.memory_space<vmem>>, %arg2: memref<2x128xf32, #tpu.memory_space<vmem>>, %arg3: memref<1x128xf32, #tpu.memory_space<vmem>>, %arg4: memref<1x128xf32, #tpu.memory_space<vmem>>, %arg5: memref<128x1xf32, #tpu.memory_space<vmem>>, %arg6: memref<1x1xf32, #tpu.memory_space<vmem>>, %arg7: memref<2048x13xf32, #tpu.memory_space<vmem>>, %arg8: memref<2048x1xf32, #tpu.memory_space<vmem>>) attributes {dimension_semantics = [#tpu.dimension_semantics<arbitrary>], iteration_bounds = array<i64: 8>, scalar_prefetch = 0 : i64, scratch_operands = 0 : i64, tpu.core_type = #tpu.core_type<tc>, window_params = [{transform_indices = @transform_0, window_bounds = array<i64: 2048, 128>}, {pipeline_mode = #tpu.pipeline_mode<synchronous>, transform_indices = @transform_1, window_bounds = array<i64: 2, 128>}, {pipeline_mode = #tpu.pipeline_mode<synchronous>, transform_indices = @transform_2, window_bounds = array<i64: 1, 128>}, {pipeline_mode = #tpu.pipeline_mode<synchronous>, transform_indices = @transform_3, window_bounds = array<i64: 1, 128>}, {pipeline_mode = #tpu.pipeline_mode<synchronous>, transform_indices = @transform_4, window_bounds = array<i64: 128, 1>}, {pipeline_mode = #tpu.pipeline_mode<synchronous>, transform_indices = @transform_5, window_bounds = array<i64: 1, 1>}, {transform_indices = @transform_6, window_bounds = array<i64: 2048, 13>}, {transform_indices = @transform_7, window_bounds = array<i64: 2048, 1>}]} {
    %get3A = arith.constant 0 : index
    %get3A_0 = arith.constant 0 : index
    %get3A_1 = vector.load %arg2[%get3A, %get3A_0] : memref<2x128xf32, #tpu.memory_space<vmem>>, vector<1x128xf32>
    %mul3A = arith.constant 6.10351563E-5 : f32
    %mul3A_2 = vector.broadcast %mul3A : f32 to vector<1x128xf32>
    %mul3A_3 = arith.mulf %get3A_1, %mul3A_2 : vector<1x128xf32>
    %get3A_4 = arith.constant 1 : index
    %get3A_5 = arith.constant 0 : index
    %get3A_6 = vector.load %arg2[%get3A_4, %get3A_5] : memref<2x128xf32, #tpu.memory_space<vmem>>, vector<1x128xf32>
    %mul3A_7 = arith.constant 6.10351563E-5 : f32
    %mul3A_8 = vector.broadcast %mul3A_7 : f32 to vector<1x128xf32>
    %mul3A_9 = arith.mulf %get3A_6, %mul3A_8 : vector<1x128xf32>
    %mul3A_10 = arith.mulf %mul3A_3, %mul3A_3 : vector<1x128xf32>
    %sub3A = arith.subf %mul3A_9, %mul3A_10 : vector<1x128xf32>
    %get3A_11 = arith.constant 0 : index
    %get3A_12 = arith.constant 0 : index
    %get3A_13 = vector.load %arg1[%get3A_11, %get3A_12] : memref<2048x128xf32, #tpu.memory_space<vmem>>, vector<2048x128xf32>
    %sub3A_14 = vector.broadcast %mul3A_3 : vector<1x128xf32> to vector<2048x128xf32>
    %sub3A_15 = arith.subf %get3A_13, %sub3A_14 : vector<2048x128xf32>
    %add3A = arith.constant 9.99999974E-6 : f32
    %add3A_16 = vector.broadcast %add3A : f32 to vector<1x128xf32>
    %add3A_17 = arith.addf %sub3A, %add3A_16 : vector<1x128xf32>
    %sqrt3A = math.sqrt %add3A_17 : vector<1x128xf32>
    %div3A = vector.broadcast %sqrt3A : vector<1x128xf32> to vector<2048x128xf32>
    %div3A_18 = arith.divf %sub3A_15, %div3A : vector<2048x128xf32>
    %get3A_19 = arith.constant 0 : index
    %get3A_20 = arith.constant 0 : index
    %get3A_21 = vector.load %arg3[%get3A_19, %get3A_20] : memref<1x128xf32, #tpu.memory_space<vmem>>, vector<1x128xf32>
    %mul3A_22 = vector.broadcast %get3A_21 : vector<1x128xf32> to vector<2048x128xf32>
    %mul3A_23 = arith.mulf %div3A_18, %mul3A_22 : vector<2048x128xf32>
    %get3A_24 = arith.constant 0 : index
    %get3A_25 = arith.constant 0 : index
    %get3A_26 = vector.load %arg4[%get3A_24, %get3A_25] : memref<1x128xf32, #tpu.memory_space<vmem>>, vector<1x128xf32>
    %add3A_27 = vector.broadcast %get3A_26 : vector<1x128xf32> to vector<2048x128xf32>
    %add3A_28 = arith.addf %mul3A_23, %add3A_27 : vector<2048x128xf32>
    %max3A = arith.constant 0.000000e+00 : f32
    %max3A_29 = vector.broadcast %max3A : f32 to vector<2048x128xf32>
    %max3A_30 = arith.maximumf %add3A_28, %max3A_29 : vector<2048x128xf32>
    %get3A_31 = arith.constant 0 : index
    %get3A_32 = arith.constant 0 : index
    %get3A_33 = vector.load %arg5[%get3A_31, %get3A_32] : memref<128x1xf32, #tpu.memory_space<vmem>>, vector<128x1xf32>
    %dot_general3A = arith.constant dense<0.000000e+00> : vector<2048x1xf32>
    %dot_general3A_34 = tpu.matmul %max3A_30, %get3A_33, %dot_general3A {dimension_numbers = #tpu.dot_dimension_numbers<[1], [0], [0], [1], [0, 0, 1, 1], [], []>, transpose_lhs_hint = false} : vector<2048x128xf32>, vector<128x1xf32>, vector<2048x1xf32> -> vector<2048x1xf32>
    %get3A_35 = arith.constant 0 : index
    %get3A_36 = arith.constant 0 : index
    %get3A_37 = vector.load %arg6[%get3A_35, %get3A_36] : memref<1x1xf32, #tpu.memory_space<vmem>>, vector<1x1xf32>
    %add3A_38 = vector.broadcast %get3A_37 : vector<1x1xf32> to vector<2048x1xf32>
    %add3A_39 = arith.addf %dot_general3A_34, %add3A_38 : vector<2048x1xf32>
    %get3A_40 = arith.constant 0 : index
    %get3A_41 = arith.constant 12 : index
    %get3A_42 = vector.load %arg7[%get3A_40, %get3A_41] : memref<2048x13xf32, #tpu.memory_space<vmem>>, vector<2048x1xf32>
    %add3A_43 = arith.addf %add3A_39, %get3A_42 : vector<2048x1xf32>
    %swap3A = arith.constant 0 : index
    %swap3A_44 = arith.constant 0 : index
    %swap3A_45 = vector.load %arg8[%swap3A, %swap3A_44] : memref<2048x1xf32, #tpu.memory_space<vmem>>, vector<2048x1xf32>
    tpu.vector_store %arg8[%swap3A, %swap3A_44], %add3A_43 {strides = array<i32>} : memref<2048x1xf32, #tpu.memory_space<vmem>>, vector<2048x1xf32>,
    return
  }
  func.func @transform_0(%arg0: i32) -> (i32, i32) {
    %c0_i32 = arith.constant 0 : i32
    %c0_i32_0 = arith.constant 0 : i32
    return %arg0, %c0_i32 : i32, i32
  }
  func.func @transform_1(%arg0: i32) -> (i32, i32) {
    %c0_i32 = arith.constant 0 : i32
    %c0_i32_0 = arith.constant 0 : i32
    %c0_i32_1 = arith.constant 0 : i32
    return %c0_i32, %c0_i32_0 : i32, i32
  }
  func.func @transform_2(%arg0: i32) -> (i32, i32) {
    %c0_i32 = arith.constant 0 : i32
    %c0_i32_0 = arith.constant 0 : i32
    %c0_i32_1 = arith.constant 0 : i32
    return %c0_i32, %c0_i32_0 : i32, i32
  }
  func.func @transform_3(%arg0: i32) -> (i32, i32) {
    %c0_i32 = arith.constant 0 : i32
    %c0_i32_0 = arith.constant 0 : i32
    %c0_i32_1 = arith.constant 0 : i32
    return %c0_i32, %c0_i32_0 : i32, i32
  }
  func.func @transform_4(%arg0: i32) -> (i32, i32) {
    %c0_i32 = arith.constant 0 : i32
    %c0_i32_0 = arith.constant 0 : i32
    %c0_i32_1 = arith.constant 0 : i32
    return %c0_i32, %c0_i32_0 : i32, i32
  }
  func.func @transform_5(%arg0: i32) -> (i32, i32) {
    %c0_i32 = arith.constant 0 : i32
    %c0_i32_0 = arith.constant 0 : i32
    %c0_i32_1 = arith.constant 0 : i32
    return %c0_i32, %c0_i32_0 : i32, i32
  }
  func.func @transform_6(%arg0: i32) -> (i32, i32) {
    %c0_i32 = arith.constant 0 : i32
    %c0_i32_0 = arith.constant 0 : i32
    return %arg0, %c0_i32 : i32, i32
  }
  func.func @transform_7(%arg0: i32) -> (i32, i32) {
    %c0_i32 = arith.constant 0 : i32
    %c0_i32_0 = arith.constant 0 : i32
    return %arg0, %c0_i32 : i32, i32
  }
}

</mosaic_0001>

<sc_bundles>
// kernel: kernel.7.cloned.1.call-start
scs
__scs_entry_jumppad:
0x0: {  	(pc) =	sbr.rel $0x88, $3  }
0x1: {  	(tag) =	ssettag $0x0;
	lr =	simm.s32 $0x1  }
0x2: {  	[smem:$0x3F94] =	sst lr;
	_ =	strace $0xD0000000  }
0x3: {  	_ = 	snop  }
0x4: {  	_ = 	snop  }
0x5: {  	_ = 	snop  }
0x6: {  	_ = 	snop  }
0x7: {  	_ = 	snop  }
__scs_overlays_trampoline_lowered:
0x8: {  	[smem:$0x3FA3] =	sst s0  }
0x9: {  	[smem:$0x3FA4] =	sst s1  }
0xa: {  	[smem:$0x3FA5] =	sst s2  }
0xb: {  	[smem:$0x3FA6] =	sst s3  }
0xc: {  	[smem:$0x3FA7] =	sst s4  }
0xd: {  	[smem:$0x3FA8] =	sst s5  }
0xe: {  	[smem:$0x3FA9] =	sst s6  }
0xf: {  	[smem:$0x3FAA] =	sst s7  }
0x10: {  	[smem:$0x3FAB] =	sst s8  }
0x11: {  	[smem:$0x3FAC] =	sst s9;
	s0 =	simm.s32 @!p0 $0x0  }
0x12: {  	s1 =	sld [smem:$0x3F92];
	s0 =	simm.s32 @p0 $0x1  }
0x13: {  	[smem:$0x3FAD] =	sst s0;
	s0 =	simm.s32 @!p1 $0x0  }
0x14: {  	s2 =	sld [smem:$0x3F91];
	s0 =	simm.s32 @p1 $0x1  }
0x15: {  	[smem:$0x3FAE] =	sst s0;
	s0 =	simm.s32 @!p2 $0x0  }
0x16: {  	s3 =	sld [smem:$0x3FDB];
	s0 =	simm.s32 @p2 $0x1  }
0x17: {  	s4 =	simm.s32 $0x1BF5;
	[smem:$0x3FB0] =	sst s0  }
0x18: {  	s0 =	sld [smem:$0x3F93];
	_ =	swait.ge [sflag:s4], $0x0  }
0x19: {  	s7 =	sld [smem:$0x3F94]  }
0x1a: {  	s8 =	sadd.s32 $0xFFFFE003, lr  }
0x1b: {  	s9 =	sadd.s32 $0xFFFFFEF7, lr;
	s5 =	simm.s32 $0xFFFFFFFF;
	p2 =	slt.u32 s8, $0xFFFFF086  }
0x1c: {  	p1 =	slt.u32 s9, $0xF7A;
	s5 =	simm.s32 @!p2 $0x0  }
0x1d: {  	s5 =	simm.s32 @p1 $0x1;
	p0 =	seq.s32 s7, s2  }
0x1e: {  	s7 =	smul.u32 @!p0 $0xF7A, s2;
	p2 =	seq.s32 @!p0 s5, $0x0  }
0x1f: {  	s9 =	smul.u32 $0xF7A, s1;
	s8 =	simm.s32 @!p0 $0x1BF5;
	p2 =	por !p2, p0  }
0x20: {  	[sflag:s8] =	ssyncset.s32 @!p0 $0xFFFFF086;
	s6 =	sadd.s32 @!p0 s3, s7;
	s7 =	simm.s32 @!p0 $0x108  }
0x21: {  	s3 =	sadd.s32 s3, s9;
	s6 =	sadd.s32 @!p0 $0x88, s6;
	s7 =	simm.s32 @p2 $0x1082  }
0x22: {  	[simem:s7], [sflag:s8] =	dma.local @!p0 [hbm:s6], $0xF7A  }
0x23: {  	s9 =	sor.u32 $0xD0000000, s2;
	s6 =	simm.s32 $0x108;
	_ =	swait.ge @!p0 [sflag:s8], $0x0  }
0x24: {  	s3 =	sadd.s32 $0x88, s3;
	s6 =	simm.s32 @!p1 $0x1082;
	[sflag:s4] =	ssyncset.s32 $0xFFFFF086  }
0x25: {  	[simem:s6], [sflag:s4] =	dma.local [hbm:s3], $0xF7A  }
0x26: {  	[smem:$0x3F94] =	sst s1;
	(tag) =	ssettag s2;
	_ =	strace s9  }
0x27: {  	s1 =	sld [smem:$0x3FA4]  }
0x28: {  	s2 =	sld [smem:$0x3FA5]  }
0x29: {  	s4 =	sld [smem:$0x3FA7]  }
0x2a: {  	p0 =	seq.s32 s5, $0x0;
	s5 =	sld [smem:$0x3FA8]  }
0x2b: {  	s6 =	sld [smem:$0x3FA9]  }
0x2c: {  	s7 =	sld [smem:$0x3FAA]  }
0x2d: {  	s3 =	simm.s32 $0x108;
	s8 =	sld [smem:$0x3FAB]  }
0x2e: {  	s3 =	simm.s32 @!p0 $0x1082;
	s9 =	sld [smem:$0x3FAC]  }
0x2f: {  	lr =	sadd.s32 s0, s3;
	s0 =	sld [smem:$0x3FA3]  }
0x30: {  	s3 =	sld [smem:$0x3FA6]  }
0x31: {  	[smem:$0x3FAF] =	sst s10  }
0x32: {  	s10 =	sld [smem:$0x3FAD];
	_ =	sdelay $0x3  }
0x33: {  	p0 =	seq.s32 s10, $0x1;
	s10 =	sld [smem:$0x3FAF];
	_ =	sdelay $0x3  }
0x34: {  	[smem:$0x3FAF] =	sst s10  }
0x35: {  	s10 =	sld [smem:$0x3FAE];
	_ =	sdelay $0x3  }
0x36: {  	p1 =	seq.s32 s10, $0x1;
	s10 =	sld [smem:$0x3FAF];
	_ =	sdelay $0x3  }
0x37: {  	[smem:$0x3FAF] =	sst s10  }
0x38: {  	s10 =	sld [smem:$0x3FB0]  }
0x39: {  	_ = 	snop;
	(pc) =	sbr.ind lr, $3  }
0x3a: {  	_ = 	snop  }
0x3b: {  	_ = 	snop  }
0x3c: {  	p2 =	seq.s32 s10, $0x1;
	s10 =	sld [smem:$0x3FAF]  }
0x3d: {  	_ =	shalt  }
0x3e: {  	_ =	shalt  }
0x3f: {  	_ =	shalt  }
0x40: {  	_ =	shalt  }
0x41: {  	_ =	shalt  }
0x42: {  	_ =	shalt  }
0x43: {  	_ =	shalt  }
0x44: {  	_ =	shalt  }
0x45: {  	_ =	shalt  }
0x46: {  	_ =	shalt  }
0x47: {  	_ =	shalt  }
0x48: {  	_ =	shalt  }
0x49: {  	_ =	shalt  }
0x4a: {  	_ =	shalt  }
0x4b: {  	_ =	shalt  }
0x4c: {  	_ =	shalt  }
0x4d: {  	_ =	shalt  }
0x4e: {  	_ =	shalt  }
0x4f: {  	_ =	shalt  }
0x50: {  	_ =	shalt  }
0x51: {  	_ =	shalt  }
0x52: {  	_ =	shalt  }
0x53: {  	_ =	shalt  }
0x54: {  	_ =	shalt  }
0x55: {  	_ =	shalt  }
0x56: {  	_ =	shalt  }
0x57: {  	_ =	shalt  }
0x58: {  	_ =	shalt  }
0x59: {  	_ =	shalt  }
0x5a: {  	_ =	shalt  }
0x5b: {  	_ =	shalt  }
0x5c: {  	_ =	shalt  }
0x5d: {  	_ =	shalt  }
0x5e: {  	_ =	shalt  }
0x5f: {  	_ =	shalt  }
0x60: {  	_ =	shalt  }
0x61: {  	_ =	shalt  }
0x62: {  	_ =	shalt  }
0x63: {  	_ =	shalt  }
0x64: {  	_ =	shalt  }
0x65: {  	_ =	shalt  }
0x66: {  	_ =	shalt  }
0x67: {  	_ =	shalt  }
0x68: {  	_ =	shalt  }
0x69: {  	_ =	shalt  }
0x6a: {  	_ =	shalt  }
0x6b: {  	_ =	shalt  }
0x6c: {  	_ =	shalt  }
0x6d: {  	_ =	shalt  }
0x6e: {  	_ =	shalt  }
0x6f: {  	_ =	shalt  }
0x70: {  	_ =	shalt  }
0x71: {  	_ =	shalt  }
0x72: {  	_ =	shalt  }
0x73: {  	_ =	shalt  }
0x74: {  	_ =	shalt  }
0x75: {  	_ =	shalt  }
0x76: {  	_ =	shalt  }
0x77: {  	_ =	shalt  }
0x78: {  	_ =	shalt  }
0x79: {  	_ =	shalt  }
0x7a: {  	_ =	shalt  }
0x7b: {  	_ =	shalt  }
0x7c: {  	_ =	shalt  }
0x7d: {  	_ =	shalt  }
0x7e: {  	_ =	shalt  }
0x7f: {  	_ =	shalt  }
0x80: {  	_ =	shalt  }
0x81: {  	_ =	shalt  }
0x82: {  	_ =	shalt  }
0x83: {  	_ =	shalt  }
0x84: {  	_ =	shalt  }
0x85: {  	_ =	shalt  }
0x86: {  	_ =	shalt  }
0x87: {  	_ =	shalt  }
.Lfunc_end0:
.L_simem_size_0:
called_computation_lowered:
.L_overlay_start_0:
0x88: {  	s2 =	sld [smem:$0x3FD9]  }
0x89: {  	s3 =	sld [smem:$0x3FFE];
	_ =	sdelay $0x1  }
0x8a: {  	s1 =	srdreg.scid  }
0x8b: {  	s0 =	sand.u32 $0x1, s1  }
0x8c: {  	s16 =	sshll.u32 s0, $0xA;
	s2 =	sadd.s32 s3, s2  }
0x8d: {  	s2 =	sadd.s32 s2, s16  }
0x8e: {  	[smem:$0x3FBB] =	sst s2  }
0x8f: {  	_ = 	snop  }
0x90: {  	(tm) =	ssettm $0x1  }
0x91: {  	s17 =	sld [smem:$0x3FFB];
	_ =	sdelay $0x3  }
0x92: {  	_ =	strace s17  }
0x93: {  	s2 =	sld [smem:$0x3FFC];
	_ =	sdelay $0x3  }
0x94: {  	_ =	strace s2  }
0x95: {  	s2 =	sld [smem:$0x3FFD];
	_ =	sdelay $0x3  }
0x96: {  	_ =	strace s2  }
0x97: {  	_ =	strace $0x8FFFFFFF  }
0x98: {  	s18 =	sld [smem:$0x3FDB];
	_ =	sdelay $0x1  }
0x99: {  	s19 =	simm.s32 $_scs_section_size  }
0x9a: {  	s4 =	simm.s32 $_size__tile_overlayer_lowered;
	s5 =	simm.s32 $_tile_overlayer_lowered  }
0x9b: {  	s22 =	simm.s32 $0x1BFF;
	s21 =	sshll.u32 s5, $0x1;
	s2 =	sadd.s32 s19, s18  }
0x9c: {  	s6 =	simm.s32 $0x0;
	s20 =	sshll.u32 s4, $0x1;
	s4 =	sadd.s32 s21, s2  }
0x9d: {  	[timem:s6], [sflag:s22] =	dma.local [hbm:s4], s20  }
0x9e: {  	_ =	swait.ge [sflag:s22], s20  }
0x9f: {  	s3 =	ssub.s32 $0x0, s20;
	[sflag:s22] =	ssyncset.done $0x0  }
0xa0: {  	[sflag:s22] =	ssyncadd.s32 s3;
	_ =	sdelay $0x1  }
0xa1: {  	s23 =	simm.s32 $0x1B8B  }
0xa2: {  	_ =	swait.ge [sflag:s23], $0x1  }
0xa3: {  	[sflag:s23] =	ssyncset.done $0x0  }
0xa4: {  	s25 =	simm.s32 $0x1B8E;
	s24 =	sld [smem:$0x3FFE];
	[sflag:s23] =	ssyncadd.s32 $0xFFFFFFFF  }
0xa5: {  	s26 =	simm.s32 $execute0_lowered;
	[smem:$0x3FD2] =	sst s25  }
0xa6: {  	s4 =	sshll.u32 s26, $0x1;
	_ =	strace $0x80000046;
	[dreg:$0x1] =	wrdreg $0xFFFFFFFF  }
0xa7: {  	s28 =	simm.s32 $_size_execute0_lowered;
	s2 =	sadd.s32 s2, s4;
	[dreg:$0x0] =	wrdreg $0x0  }
0xa8: {  	s4 =	sshll.u32 s28, $0x1;
	[dreg:$0x2] =	wrdreg s2  }
0xa9: {  	[dreg:$0x3] =	wrdreg s4  }
0xaa: {  	[dreg:$0x4] =	wrdreg $0xC0  }
0xab: {  	_ =	task [dreg:s6], $0x5FFFF  }
0xac: {  	[dreg:$0x1] =	wrdreg $0xFFFFFFFF  }
0xad: {  	[dreg:$0x0] =	wrdreg $0x60  }
0xae: {  	[dreg:$0x2] =	wrdreg s24  }
0xaf: {  	[dreg:$0x3] =	wrdreg $0x9  }
0xb0: {  	_ =	task.clear_ibuf [dreg:s6], $0x4FFFF;
	_ =	strace $0x90000046  }
0xb1: {  	s29 =	simm.s32 $0x9;
	_ =	strace $0x80000048  }
0xb2: {  	_ =	swait.ge [sflag:s29], $0x1  }
0xb3: {  	[sflag:s29] =	ssyncadd.s32 $0xFFFFFFFF  }
0xb4: {  	_ =	strace $0x90000048  }
0xb5: {  	_ =	sfence  }
0xb6: {  	s30 =	sld [smem:$0x0];
	_ =	sdelay $0x2  }
0xb7: {  	s31 =	sshll.u32 s1, $0xD;
	s1 =	sshrl.u32 s1, $0x2  }
0xb8: {  	s3 =	sand.u32 $0x4000, s31;
	s1 =	sadd.s32 s1, s30  }
0xb9: {  	s0 =	sor.u32 s3, s0;
	s1 =	sshll.u32 s1, $0x11  }
0xba: {  	s0 =	sor.u32 s1, s0  }
0xbb: {  	s0 =	sadd.s32 $0x8F2B, s0  }
0xbc: {  	[sflag:s0] =	ssyncadd.remote.s32 $0x1  }
0xbd: {  	_ =	sfence.sel $0xFFFF  }
0xbe: {  	[dreg:$0x0] =	wrdreg $0xFFFFFFFF;
	(pc) =	sbr.abs _section_cstart, $3  }
0xbf: {  	[dreg:$0x1] =	wrdreg $0xFFFFFFFF  }
0xc0: {  	_ =	task.clear_ibuf [dreg:s6], $0x2FFFF;
	_ =	strace $0x9FFFFFFF  }
0xc1: {  	(tm) =	ssettm $0x7FFFFFFF  }
tec
execute0_lowered:
.L_overlay_start_1:
0x0: {  	(tag) =	ssettag $0x1  }
0x1: {  	s0 =	rddreg [dreg:$0x0];
	s2 =	simm.s32 $0x0;
	s1 =	srdreg.scid  }
0x2: {  	s3 =	stileid.u32;
	s7 =	simm.s32 $0x3;
	s8 =	simm.s32 $0x4000  }
0x3: {  	s9 =	simm.s32 $0x4800;
	s10 =	simm.s32 $0x5000;
	s11 =	simm.s32 $0x5800  }
0x4: {  	s12 =	simm.s32 $0x6000;
	s13 =	simm.s32 $0x6800;
	s14 =	simm.s32 $0x7000  }
0x5: {  	s15 =	simm.s32 $0x7800;
	s16 =	simm.s32 $0x8000;
	s17 =	simm.s32 $0x8800  }
0x6: {  	s18 =	simm.s32 $0x9000;
	s19 =	simm.s32 $0x9800;
	s20 =	simm.s32 $0xA000  }
0x7: {  	s22 =	simm.s32 $0x1;
	s23 =	simm.s32 $0x2;
	s24 =	simm.s32 $0x11000  }
0x8: {  	[smem:$0x7FF] =	sst s2;
	s1 =	sand.u32 $0x1, s1;
	s3 =	sshll.u32 s3, $0x1  }
0x9: {  	s25 =	simm.s32 $0x0;
	_ =	strace $0x80000047;
	s4 =	sor.u32 s1, s3  }
0xa: {  	s3 =	sadd.s32 $0x13000, s0;
	s1 =	ssub.s32 $0x2, s1;
	s5 =	sshll.u32 s4, $0xB  }
0xb: {  	v2 =	vlaneseq.u32;
	s4 =	sshll.u32 s4, $0xE;
	s6 =	sshrl.u32 s1, $0x1;
	s5 =	sadd.s32 s5, s0  }
0xc: {  	vm0 =	vmmov $0xffff;
	v1 =	vshrl.u32 v2, $0x3;
	s0 =	sadd.s32 s4, s0;
	s1 =	ssub.s32 s1, s6;
	s31 =	sadd.s32 $0x3000, s5  }
0xd: {  	v0 =	vand.u32 $0x7, v2;
	v2 =	vor.u32 $0x8, v2;
	v1 =	vmul.u32 $0x8, v1;
	s5 =	sadd.s32 $0xDE200, s0;
	s6 =	smax.u32 s1, $0x1;
	[dreg:$0x2] =	wrdreg s31  }
.LBB2_1:
0xe: {  	s0 =	rddreg [dreg:$0x2]  }
0xf: {  	[tilespmem:s2], [sflag:$0x3] =	stream.linear.gather [hbm4b:s0+s2], $0x4000, $0x38;
	[tilespmem:$0x15000] =	vst v63  }
0x10: {  	_ =	swait.ge [sflag:s7], $0x4000  }
0x11: {  	[sflag:s7] =	ssyncset.done $0x0  }
0x12: {  	[sflag:s7] =	ssyncadd.s32 $0xFFFFC000  }
0x13: {  	v3 =	vld [tilespmem:$0x0];
	_ =	sdelay $0x4  }
0x14: {  	v4 =	vshll.u32 v3, $0x1  }
0x15: {  	v3 =	vand.u32 $0x7, v3;
	v4 =	vand.u32 $0xFFFFFFF0, v4  }
0x16: {  	v3 =	vor.u32 v3, v4  }
0x17: {  	v4 =	vperm.xlane v3, v0;
	_ =	sdelay $0x1  }
0x18: {  	v3 =	vperm.xlane v3, v2;
	v4 =	vadd.s32 v1, v4;
	_ =	sdelay $0x1  }
0x19: {  	v3 =	vadd.s32 v1, v3;
	_ =	sdelay $0x2  }
0x1a: {  	[tilespmem:s8], [sflag:$0x1] =	stream.indirect_vreg.gather [hbm4b:s3+s2], $0x80, v4, vm0, $0xb8;
	[tilespmem:$0x15000] =	vst v63  }
0x1b: {  	_ = 	snop  }
0x1c: {  	[tilespmem:s9], [sflag:$0x1] =	stream.indirect_vreg.gather [hbm4b:s3+s2], $0x80, v3, vm0, $0xb8;
	[tilespmem:$0x15000] =	vst v63  }
0x1d: {  	v3 =	vld [tilespmem:$0x10];
	_ =	sdelay $0x4  }
0x1e: {  	v51 =	vshll.u32 v3, $0x1  }
0x1f: {  	v3 =	vand.u32 $0x7, v3;
	v4 =	vand.u32 $0xFFFFFFF0, v51  }
0x20: {  	v3 =	vor.u32 v3, v4  }
0x21: {  	v4 =	vperm.xlane v3, v0;
	_ =	sdelay $0x1  }
0x22: {  	v3 =	vperm.xlane v3, v2;
	v4 =	vadd.s32 v1, v4;
	_ =	sdelay $0x1  }
0x23: {  	v3 =	vadd.s32 v1, v3;
	_ =	sdelay $0x2  }
0x24: {  	[tilespmem:s10], [sflag:$0x1] =	stream.indirect_vreg.gather [hbm4b:s3+s2], $0x80, v4, vm0, $0xb8;
	[tilespmem:$0x15000] =	vst v63  }
0x25: {  	_ = 	snop  }
0x26: {  	[tilespmem:s11], [sflag:$0x1] =	stream.indirect_vreg.gather [hbm4b:s3+s2], $0x80, v3, vm0, $0xb8;
	[tilespmem:$0x15000] =	vst v63  }
0x27: {  	v3 =	vld [tilespmem:$0x20];
	_ =	sdelay $0x4  }
0x28: {  	v52 =	vshll.u32 v3, $0x1  }
0x29: {  	v3 =	vand.u32 $0x7, v3;
	v4 =	vand.u32 $0xFFFFFFF0, v52  }
0x2a: {  	v3 =	vor.u32 v3, v4  }
0x2b: {  	v4 =	vperm.xlane v3, v0;
	_ =	sdelay $0x1  }
0x2c: {  	v3 =	vperm.xlane v3, v2;
	v4 =	vadd.s32 v1, v4;
	_ =	sdelay $0x1  }
0x2d: {  	v3 =	vadd.s32 v1, v3;
	_ =	sdelay $0x2  }
0x2e: {  	[tilespmem:s12], [sflag:$0x1] =	stream.indirect_vreg.gather [hbm4b:s3+s2], $0x80, v4, vm0, $0xb8;
	[tilespmem:$0x15000] =	vst v63  }
0x2f: {  	_ = 	snop  }
0x30: {  	[tilespmem:s13], [sflag:$0x1] =	stream.indirect_vreg.gather [hbm4b:s3+s2], $0x80, v3, vm0, $0xb8;
	[tilespmem:$0x15000] =	vst v63  }
0x31: {  	v3 =	vld [tilespmem:$0x30];
	_ =	sdelay $0x4  }
0x32: {  	v53 =	vshll.u32 v3, $0x1  }
0x33: {  	v3 =	vand.u32 $0x7, v3;
	v4 =	vand.u32 $0xFFFFFFF0, v53  }
0x34: {  	v3 =	vor.u32 v3, v4  }
0x35: {  	v4 =	vperm.xlane v3, v0;
	_ =	sdelay $0x1  }
0x36: {  	v3 =	vperm.xlane v3, v2;
	v4 =	vadd.s32 v1, v4;
	_ =	sdelay $0x1  }
0x37: {  	v3 =	vadd.s32 v1, v3;
	_ =	sdelay $0x2  }
0x38: {  	[tilespmem:s14], [sflag:$0x1] =	stream.indirect_vreg.gather [hbm4b:s3+s2], $0x80, v4, vm0, $0xb8;
	[tilespmem:$0x15000] =	vst v63  }
0x39: {  	_ = 	snop  }
0x3a: {  	[tilespmem:s15], [sflag:$0x1] =	stream.indirect_vreg.gather [hbm4b:s3+s2], $0x80, v3, vm0, $0xb8;
	[tilespmem:$0x15000] =	vst v63  }
0x3b: {  	v3 =	vld [tilespmem:$0x40];
	_ =	sdelay $0x4  }
0x3c: {  	v54 =	vshll.u32 v3, $0x1  }
0x3d: {  	v3 =	vand.u32 $0x7, v3;
	v4 =	vand.u32 $0xFFFFFFF0, v54  }
0x3e: {  	v3 =	vor.u32 v3, v4  }
0x3f: {  	v4 =	vperm.xlane v3, v0;
	_ =	sdelay $0x1  }
0x40: {  	v3 =	vperm.xlane v3, v2;
	v4 =	vadd.s32 v1, v4;
	_ =	sdelay $0x1  }
0x41: {  	v3 =	vadd.s32 v1, v3;
	_ =	sdelay $0x2  }
0x42: {  	[tilespmem:s16], [sflag:$0x1] =	stream.indirect_vreg.gather [hbm4b:s3+s2], $0x80, v4, vm0, $0xb8;
	[tilespmem:$0x15000] =	vst v63  }
0x43: {  	_ = 	snop  }
0x44: {  	[tilespmem:s17], [sflag:$0x1] =	stream.indirect_vreg.gather [hbm4b:s3+s2], $0x80, v3, vm0, $0xb8;
	[tilespmem:$0x15000] =	vst v63  }
0x45: {  	v3 =	vld [tilespmem:$0x50];
	_ =	sdelay $0x4  }
0x46: {  	v55 =	vshll.u32 v3, $0x1  }
0x47: {  	v3 =	vand.u32 $0x7, v3;
	v4 =	vand.u32 $0xFFFFFFF0, v55  }
0x48: {  	v3 =	vor.u32 v3, v4  }
0x49: {  	v4 =	vperm.xlane v3, v0;
	_ =	sdelay $0x1  }
0x4a: {  	v3 =	vperm.xlane v3, v2;
	v4 =	vadd.s32 v1, v4;
	_ =	sdelay $0x1  }
0x4b: {  	v3 =	vadd.s32 v1, v3;
	_ =	sdelay $0x2  }
0x4c: {  	[tilespmem:s18], [sflag:$0x1] =	stream.indirect_vreg.gather [hbm4b:s3+s2], $0x80, v4, vm0, $0xb8;
	[tilespmem:$0x15000] =	vst v63  }
0x4d: {  	_ = 	snop  }
0x4e: {  	[tilespmem:s19], [sflag:$0x1] =	stream.indirect_vreg.gather [hbm4b:s3+s2], $0x80, v3, vm0, $0xb8;
	[tilespmem:$0x15000] =	vst v63  }
0x4f: {  	v3 =	vld.msk [tilespmem:$0x60], $0xff;
	_ =	sdelay $0x4  }
0x50: {  	v56 =	vshll.u32 v3, $0x1  }
0x51: {  	v3 =	vand.u32 $0x7, v3;
	v4 =	vand.u32 $0xFFFFFFF0, v56  }
0x52: {  	v3 =	vor.u32 v3, v4  }
0x53: {  	v3 =	vperm.xlane v3, v0;
	_ =	sdelay $0x1  }
0x54: {  	v3 =	vadd.s32 v1, v3;
	_ =	sdelay $0x4  }
0x55: {  	[tilespmem:s20], [sflag:$0x1] =	stream.indirect_vreg.gather [hbm4b:s3+s2], $0x80, v3, vm0, $0xb8;
	[tilespmem:$0x15000] =	vst v63  }
0x56: {  	v3 =	vld [tilespmem:$0x80];
	_ =	sdelay $0x4  }
0x57: {  	v57 =	vshll.u32 v3, $0x1  }
0x58: {  	v3 =	vand.u32 $0x7, v3;
	v4 =	vand.u32 $0xFFFFFFF0, v57  }
0x59: {  	v3 =	vor.u32 v3, v4  }
0x5a: {  	v4 =	vperm.xlane v3, v0;
	_ =	sdelay $0x1  }
0x5b: {  	v3 =	vperm.xlane v3, v2;
	v4 =	vadd.s32 v1, v4;
	_ =	sdelay $0x1  }
0x5c: {  	v3 =	vadd.s32 v1, v3;
	_ =	sdelay $0x1  }
0x5d: {  	s26 =	simm.s32 $0xA800  }
0x5e: {  	[tilespmem:s26], [sflag:$0x2] =	stream.indirect_vreg.gather [hbm4b:s3+s2], $0x80, v4, vm0, $0xb8;
	[tilespmem:$0x15000] =	vst v63  }
0x5f: {  	s28 =	simm.s32 $0xB000  }
0x60: {  	[tilespmem:s28], [sflag:$0x2] =	stream.indirect_vreg.gather [hbm4b:s3+s2], $0x80, v3, vm0, $0xb8;
	[tilespmem:$0x15000] =	vst v63  }
0x61: {  	v3 =	vld [tilespmem:$0x90];
	_ =	sdelay $0x4  }
0x62: {  	v58 =	vshll.u32 v3, $0x1  }
0x63: {  	v3 =	vand.u32 $0x7, v3;
	v4 =	vand.u32 $0xFFFFFFF0, v58  }
0x64: {  	v3 =	vor.u32 v3, v4  }
0x65: {  	v4 =	vperm.xlane v3, v0;
	_ =	sdelay $0x1  }
0x66: {  	v3 =	vperm.xlane v3, v2;
	v4 =	vadd.s32 v1, v4;
	_ =	sdelay $0x1  }
0x67: {  	v3 =	vadd.s32 v1, v3;
	_ =	sdelay $0x1  }
0x68: {  	s29 =	simm.s32 $0xB800  }
0x69: {  	[tilespmem:s29], [sflag:$0x2] =	stream.indirect_vreg.gather [hbm4b:s3+s2], $0x80, v4, vm0, $0xb8;
	[tilespmem:$0x15000] =	vst v63  }
0x6a: {  	s30 =	simm.s32 $0xC000  }
0x6b: {  	[tilespmem:s30], [sflag:$0x2] =	stream.indirect_vreg.gather [hbm4b:s3+s2], $0x80, v3, vm0, $0xb8;
	[tilespmem:$0x15000] =	vst v63  }
0x6c: {  	v3 =	vld [tilespmem:$0xA0];
	_ =	sdelay $0x4  }
0x6d: {  	v59 =	vshll.u32 v3, $0x1  }
0x6e: {  	v3 =	vand.u32 $0x7, v3;
	v4 =	vand.u32 $0xFFFFFFF0, v59  }
0x6f: {  	v3 =	vor.u32 v3, v4  }
0x70: {  	v4 =	vperm.xlane v3, v0;
	_ =	sdelay $0x1  }
0x71: {  	v3 =	vperm.xlane v3, v2;
	v4 =	vadd.s32 v1, v4;
	_ =	sdelay $0x1  }
0x72: {  	v3 =	vadd.s32 v1, v3;
	_ =	sdelay $0x1  }
0x73: {  	s31 =	simm.s32 $0xC800  }
0x74: {  	[tilespmem:s31], [sflag:$0x2] =	stream.indirect_vreg.gather [hbm4b:s3+s2], $0x80, v4, vm0, $0xb8;
	[tilespmem:$0x15000] =	vst v63  }
0x75: {  	s1 =	simm.s32 $0xD000  }
0x76: {  	[tilespmem:s1], [sflag:$0x2] =	stream.indirect_vreg.gather [hbm4b:s3+s2], $0x80, v3, vm0, $0xb8;
	[tilespmem:$0x15000] =	vst v63  }
0x77: {  	v3 =	vld [tilespmem:$0xB0];
	_ =	sdelay $0x4  }
0x78: {  	v60 =	vshll.u32 v3, $0x1  }
0x79: {  	v3 =	vand.u32 $0x7, v3;
	v4 =	vand.u32 $0xFFFFFFF0, v60  }
0x7a: {  	v3 =	vor.u32 v3, v4  }
0x7b: {  	v4 =	vperm.xlane v3, v0;
	_ =	sdelay $0x1  }
0x7c: {  	v3 =	vperm.xlane v3, v2;
	v4 =	vadd.s32 v1, v4;
	_ =	sdelay $0x1  }
0x7d: {  	v3 =	vadd.s32 v1, v3;
	_ =	sdelay $0x1  }
0x7e: {  	s4 =	simm.s32 $0xD800  }
0x7f: {  	[tilespmem:s4], [sflag:$0x2] =	stream.indirect_vreg.gather [hbm4b:s3+s2], $0x80, v4, vm0, $0xb8;
	[tilespmem:$0x15000] =	vst v63  }
0x80: {  	s21 =	simm.s32 $0xE000  }
0x81: {  	[tilespmem:s21], [sflag:$0x2] =	stream.indirect_vreg.gather [hbm4b:s3+s2], $0x80, v3, vm0, $0xb8;
	[tilespmem:$0x15000] =	vst v63  }
0x82: {  	v3 =	vld [tilespmem:$0xC0];
	_ =	sdelay $0x4  }
0x83: {  	v61 =	vshll.u32 v3, $0x1  }
0x84: {  	v3 =	vand.u32 $0x7, v3;
	v4 =	vand.u32 $0xFFFFFFF0, v61  }
0x85: {  	v3 =	vor.u32 v3, v4  }
0x86: {  	v4 =	vperm.xlane v3, v0;
	_ =	sdelay $0x1  }
0x87: {  	v3 =	vperm.xlane v3, v2;
	v4 =	vadd.s32 v1, v4;
	_ =	sdelay $0x1  }
0x88: {  	v3 =	vadd.s32 v1, v3;
	_ =	sdelay $0x1  }
0x89: {  	s26 =	simm.s32 $0xE800  }
0x8a: {  	[tilespmem:s26], [sflag:$0x2] =	stream.indirect_vreg.gather [hbm4b:s3+s2], $0x80, v4, vm0, $0xb8;
	[tilespmem:$0x15000] =	vst v63  }
0x8b: {  	s28 =	simm.s32 $0xF000  }
0x8c: {  	[tilespmem:s28], [sflag:$0x2] =	stream.indirect_vreg.gather [hbm4b:s3+s2], $0x80, v3, vm0, $0xb8;
	[tilespmem:$0x15000] =	vst v63  }
0x8d: {  	v3 =	vld [tilespmem:$0xD0];
	_ =	sdelay $0x4  }
0x8e: {  	v62 =	vshll.u32 v3, $0x1  }
0x8f: {  	v3 =	vand.u32 $0x7, v3;
	v4 =	vand.u32 $0xFFFFFFF0, v62  }
0x90: {  	v3 =	vor.u32 v3, v4  }
0x91: {  	v4 =	vperm.xlane v3, v0;
	_ =	sdelay $0x1  }
0x92: {  	v3 =	vperm.xlane v3, v2;
	v4 =	vadd.s32 v1, v4;
	_ =	sdelay $0x1  }
0x93: {  	v3 =	vadd.s32 v1, v3;
	_ =	sdelay $0x1  }
0x94: {  	s29 =	simm.s32 $0xF800  }
0x95: {  	[tilespmem:s29], [sflag:$0x2] =	stream.indirect_vreg.gather [hbm4b:s3+s2], $0x80, v4, vm0, $0xb8;
	[tilespmem:$0x15000] =	vst v63  }
0x96: {  	s30 =	simm.s32 $0x10000  }
0x97: {  	[tilespmem:s30], [sflag:$0x2] =	stream.indirect_vreg.gather [hbm4b:s3+s2], $0x80, v3, vm0, $0xb8;
	[tilespmem:$0x15000] =	vst v63  }
0x98: {  	v3 =	vld.msk [tilespmem:$0xE0], $0xff;
	_ =	sdelay $0x4  }
0x99: {  	v63 =	vshll.u32 v3, $0x1  }
0x9a: {  	v3 =	vand.u32 $0x7, v3;
	v4 =	vand.u32 $0xFFFFFFF0, v63  }
0x9b: {  	v3 =	vor.u32 v3, v4  }
0x9c: {  	v3 =	vperm.xlane v3, v0;
	_ =	sdelay $0x1  }
0x9d: {  	v3 =	vadd.s32 v1, v3;
	_ =	sdelay $0x3  }
0x9e: {  	s31 =	simm.s32 $0x10800;
	s26 =	simm.s32 $0x0  }
0x9f: {  	[tilespmem:s31], [sflag:$0x2] =	stream.indirect_vreg.gather [hbm4b:s3+s2], $0x80, v3, vm0, $0xb8;
	[tilespmem:$0x15000] =	vst v63  }
.LBB2_2:
0xa0: {  	s0 =	sshll.u32 s26, $0xB  }
0xa1: {  	_ =	swait.ge [sflag:s22], $0x6800;
	s0 =	sand.u32 $0x3800, s0  }
0xa2: {  	s28 =	simm.s32 $0x0;
	[sflag:s22] =	ssyncset.done $0x0;
	s0 =	sadd.s32 $0x11000, s0  }
0xa3: {  	s29 =	simm.s32 $0x0;
	s30 =	simm.s32 $0x0;
	[sflag:s22] =	ssyncadd.s32 $0xFFFF9800;
	v3 =	vmov s0  }
.LBB2_3:
0xa4: {  	s0 =	sadd.s32 $0x0, s29  }
0xa5: {  	s1 =	sand.u32 $0xF800, s28;
	s0 =	sand.u32 $0x380, s0  }
0xa6: {  	s31 =	sor.u32 s0, s1  }
0xa7: {  	v4 =	vld [tilespmem:s31+$0x4470]  }
0xa8: {  	v6 =	vld [tilespmem:s31+$0x4000]  }
0xa9: {  	v7 =	vld [tilespmem:s31+$0x4010]  }
0xaa: {  	v8 =	vld [tilespmem:s31+$0x4020]  }
0xab: {  	v9 =	vld [tilespmem:s31+$0x4030]  }
0xac: {  	v10 =	vld [tilespmem:s31+$0x4040]  }
0xad: {  	v11 =	vld [tilespmem:s31+$0x4050]  }
0xae: {  	v12 =	vld [tilespmem:s31+$0x4060]  }
0xaf: {  	v5 =	vimm.f32 $0.0e+00;
	v13 =	vld [tilespmem:s31+$0x4070]  }
0xb0: {  	v4 =	vadd.f32 v4, v5  }
0xb1: {  	v19 =	vadd.f32 v6, v5;
	v18 =	vadd.f32 v7, v5  }
0xb2: {  	v23 =	vld [tilespmem:s31+$0x4400];
	v17 =	vadd.f32 v8, v5;
	v14 =	vadd.f32 v9, v5  }
0xb3: {  	v22 =	vld [tilespmem:s31+$0x4410];
	v15 =	vadd.f32 v10, v5;
	v16 =	vadd.f32 v11, v5  }
0xb4: {  	v20 =	vld [tilespmem:s31+$0x4420];
	v12 =	vadd.f32 v12, v5;
	v9 =	vadd.f32 v13, v5  }
0xb5: {  	v21 =	vld [tilespmem:s31+$0x4430];
	v13 =	vimm.f32 $0.0e+00;
	v10 =	vimm.f32 $0.0e+00;
	v7 =	vimm.f32 $0.0e+00  }
0xb6: {  	s21 =	sadd.s32 $0x80, s29;
	s0 =	simm.s32 $0x100;
	s1 =	sadd.s32 $0x100, s28;
	v24 =	vld [tilespmem:s31+$0x4440];
	v11 =	vimm.f32 $0.0e+00;
	v8 =	vimm.f32 $0.0e+00;
	v6 =	vimm.f32 $0.0e+00  }
.LBB2_4:
0xb7: {  	p0 =	sne.s32 s0, $0xC80;
	s4 =	sand.u32 $0xF800, s1;
	s21 =	sand.u32 $0x380, s21;
	v5 =	vadd.f32 v23, v5;
	v23 =	vld [tilespmem:s31+$0x4450]  }
0xb8: {  	v13 =	vadd.f32 v22, v13;
	v22 =	vld [tilespmem:s31+$0x4460];
	s31 =	sor.u32 s21, s4  }
0xb9: {  	v25 =	vld [tilespmem:s31+$0x4470];
	v10 =	vadd.f32 v20, v10  }
0xba: {  	v20 =	vld [tilespmem:s31+$0x4000];
	v7 =	vadd.f32 v21, v7  }
0xbb: {  	v21 =	vld [tilespmem:s31+$0x4010];
	v11 =	vadd.f32 v24, v11  }
0xbc: {  	v24 =	vld [tilespmem:s31+$0x4020];
	v8 =	vadd.f32 v23, v8  }
0xbd: {  	v23 =	vld [tilespmem:s31+$0x4030];
	v6 =	vadd.f32 v22, v6  }
0xbe: {  	v22 =	vld [tilespmem:s31+$0x4040];
	v4 =	vadd.f32 v25, v4  }
0xbf: {  	v19 =	vadd.f32 v20, v19;
	v20 =	vld [tilespmem:s31+$0x4050]  }
0xc0: {  	v18 =	vadd.f32 v21, v18;
	v21 =	vld [tilespmem:s31+$0x4060]  }
0xc1: {  	v17 =	vadd.f32 v24, v17;
	v24 =	vld [tilespmem:s31+$0x4070]  }
.Ltmp0:
0xc2: {  	v14 =	vadd.f32 v23, v14;
	v23 =	vld [tilespmem:s31+$0x4400];
	(pc) =	sbr.rel @p0 .LBB2_4-.Ltmp0, $4  }
0xc3: {  	v15 =	vadd.f32 v22, v15;
	v22 =	vld [tilespmem:s31+$0x4410]  }
0xc4: {  	v16 =	vadd.f32 v20, v16;
	v20 =	vld [tilespmem:s31+$0x4420]  }
0xc5: {  	v12 =	vadd.f32 v21, v12;
	v21 =	vld [tilespmem:s31+$0x4430]  }
0xc6: {  	s1 =	sadd.s32 $0x100, s1;
	s21 =	sadd.s32 s0, s29;
	s0 =	sadd.s32 $0x80, s0;
	v9 =	vadd.f32 v24, v9;
	v24 =	vld [tilespmem:s31+$0x4440]  }
0xc7: {  	s0 =	sand.u32 $0xF800, s1;
	s4 =	sand.u32 $0x380, s21;
	v25 =	vld [tilespmem:s31+$0x4450]  }
0xc8: {  	v26 =	vld [tilespmem:s31+$0x4460];
	s0 =	sor.u32 s4, s0  }
0xc9: {  	v27 =	vld [tilespmem:s0+$0x4470]  }
0xca: {  	v28 =	vld [tilespmem:s0+$0x4000]  }
0xcb: {  	v29 =	vld [tilespmem:s0+$0x4010]  }
0xcc: {  	v30 =	vld [tilespmem:s0+$0x4020]  }
0xcd: {  	v31 =	vld [tilespmem:s0+$0x4030]  }
0xce: {  	v32 =	vld [tilespmem:s0+$0x4040]  }
0xcf: {  	v33 =	vld [tilespmem:s0+$0x4050]  }
0xd0: {  	v34 =	vld [tilespmem:s0+$0x4060]  }
0xd1: {  	v35 =	vld [tilespmem:s0+$0x4070]  }
0xd2: {  	v36 =	vld [tilespmem:s0+$0x4400]  }
0xd3: {  	v37 =	vld [tilespmem:s0+$0x4410]  }
0xd4: {  	v38 =	vld [tilespmem:s0+$0x4420]  }
0xd5: {  	v5 =	vadd.f32 v23, v5;
	v39 =	vld [tilespmem:s0+$0x4430]  }
0xd6: {  	s21 =	sshll.u32 s30, $0x7;
	v40 =	vld [tilespmem:s0+$0x4440];
	v19 =	vadd.f32 v28, v19  }
0xd7: {  	s31 =	sand.u32 $0x3FFFFF80, s21;
	v13 =	vadd.f32 v22, v13;
	v59 =	vld [tilespmem:s0+$0x4450];
	v5 =	vadd.f32 v36, v5  }
0xd8: {  	v60 =	vld [tilespmem:s0+$0x4460];
	v18 =	vadd.f32 v29, v18;
	[tilespmem:v3+s31+$0x0 ss:$0x1] =	vst.idx.msk $0xffff, v19  }
0xd9: {  	v10 =	vadd.f32 v20, v10;
	v61 =	vadd.f32 v37, v13;
	[tilespmem:v3+s31+$0x400 ss:$0x1] =	vst.idx.msk $0xffff, v5  }
0xda: {  	v17 =	vadd.f32 v30, v17;
	[tilespmem:v3+s31+$0x10 ss:$0x1] =	vst.idx.msk $0xffff, v18  }
0xdb: {  	v7 =	vadd.f32 v21, v7;
	v10 =	vadd.f32 v38, v10;
	[tilespmem:v3+s31+$0x410 ss:$0x1] =	vst.idx.msk $0xffff, v61  }
0xdc: {  	v14 =	vadd.f32 v31, v14;
	[tilespmem:v3+s31+$0x20 ss:$0x1] =	vst.idx.msk $0xffff, v17  }
0xdd: {  	v62 =	vadd.f32 v24, v11;
	v7 =	vadd.f32 v39, v7;
	[tilespmem:v3+s31+$0x420 ss:$0x1] =	vst.idx.msk $0xffff, v10  }
0xde: {  	v15 =	vadd.f32 v32, v15;
	[tilespmem:v3+s31+$0x30 ss:$0x1] =	vst.idx.msk $0xffff, v14  }
0xdf: {  	v63 =	vadd.f32 v40, v62;
	v5 =	vadd.f32 v25, v8;
	[tilespmem:v3+s31+$0x430 ss:$0x1] =	vst.idx.msk $0xffff, v7  }
0xe0: {  	v16 =	vadd.f32 v33, v16;
	[tilespmem:v3+s31+$0x40 ss:$0x1] =	vst.idx.msk $0xffff, v15  }
0xe1: {  	s30 =	sadd.s32 $0x1, s30;
	v6 =	vadd.f32 v26, v6;
	v5 =	vadd.f32 v59, v5;
	[tilespmem:v3+s31+$0x440 ss:$0x1] =	vst.idx.msk $0xffff, v63  }
0xe2: {  	p0 =	sne.s32 s30, $0x4;
	v12 =	vadd.f32 v34, v12;
	[tilespmem:v3+s31+$0x50 ss:$0x1] =	vst.idx.msk $0xffff, v16  }
.Ltmp1:
0xe3: {  	v6 =	vadd.f32 v60, v6;
	[tilespmem:v3+s31+$0x450 ss:$0x1] =	vst.idx.msk $0xffff, v5;
	(pc) =	sbr.rel @p0 .LBB2_3-.Ltmp1, $4  }
0xe4: {  	v9 =	vadd.f32 v35, v9;
	[tilespmem:v3+s31+$0x60 ss:$0x1] =	vst.idx.msk $0xffff, v12  }
0xe5: {  	v4 =	vadd.f32 v27, v4;
	[tilespmem:v3+s31+$0x460 ss:$0x1] =	vst.idx.msk $0xffff, v6  }
0xe6: {  	[tilespmem:v3+s31+$0x70 ss:$0x1] =	vst.idx.msk $0xffff, v9  }
0xe7: {  	s29 =	sadd.s32 $0xD00, s29;
	s28 =	sadd.s32 $0x1A00, s28;
	[tilespmem:v3+s31+$0x470 ss:$0x1] =	vst.idx.msk $0xffff, v4  }
0xe8: {  	p0 =	seq.s32 s26, $0x3F  }
.Ltmp2:
0xe9: {  	_ = 	snop;
	(pc) =	sbr.rel @p0 .LBB2_8-.Ltmp2, $1  }
0xea: {  	_ =	sdelay $0x3  }
0xeb: {  	s0 =	sshll.u32 s26, $0x8  }
0xec: {  	s28 =	sand.u32 $0x3FFFFF00, s0  }
0xed: {  	v4 =	vld [tilespmem:s28+$0x100];
	_ =	sdelay $0x4  }
0xee: {  	v5 =	vshll.u32 v4, $0x1  }
0xef: {  	v4 =	vand.u32 $0x7, v4;
	v5 =	vand.u32 $0xFFFFFFF0, v5  }
0xf0: {  	v4 =	vor.u32 v4, v5  }
0xf1: {  	v5 =	vperm.xlane v4, v0;
	_ =	sdelay $0x1  }
0xf2: {  	v4 =	vperm.xlane v4, v2;
	v5 =	vadd.s32 v1, v5;
	_ =	sdelay $0x1  }
0xf3: {  	v4 =	vadd.s32 v1, v4;
	_ =	sdelay $0x2  }
0xf4: {  	[tilespmem:s8], [sflag:$0x1] =	stream.indirect_vreg.gather [hbm4b:s3+s2], $0x80, v5, vm0, $0xb8;
	[tilespmem:$0x15000] =	vst v63  }
0xf5: {  	_ = 	snop  }
0xf6: {  	[tilespmem:s9], [sflag:$0x1] =	stream.indirect_vreg.gather [hbm4b:s3+s2], $0x80, v4, vm0, $0xb8;
	[tilespmem:$0x15000] =	vst v63  }
0xf7: {  	v4 =	vld [tilespmem:s28+$0x110];
	_ =	sdelay $0x4  }
0xf8: {  	v5 =	vshll.u32 v4, $0x1  }
0xf9: {  	v4 =	vand.u32 $0x7, v4;
	v5 =	vand.u32 $0xFFFFFFF0, v5  }
0xfa: {  	v4 =	vor.u32 v4, v5  }
0xfb: {  	v5 =	vperm.xlane v4, v0;
	_ =	sdelay $0x1  }
0xfc: {  	v4 =	vperm.xlane v4, v2;
	v5 =	vadd.s32 v1, v5;
	_ =	sdelay $0x1  }
0xfd: {  	v4 =	vadd.s32 v1, v4;
	_ =	sdelay $0x2  }
0xfe: {  	[tilespmem:s10], [sflag:$0x1] =	stream.indirect_vreg.gather [hbm4b:s3+s2], $0x80, v5, vm0, $0xb8;
	[tilespmem:$0x15000] =	vst v63  }
0xff: {  	_ = 	snop  }
0x100: {  	[tilespmem:s11], [sflag:$0x1] =	stream.indirect_vreg.gather [hbm4b:s3+s2], $0x80, v4, vm0, $0xb8;
	[tilespmem:$0x15000] =	vst v63  }
0x101: {  	v4 =	vld [tilespmem:s28+$0x120];
	_ =	sdelay $0x4  }
0x102: {  	v5 =	vshll.u32 v4, $0x1  }
0x103: {  	v4 =	vand.u32 $0x7, v4;
	v5 =	vand.u32 $0xFFFFFFF0, v5  }
0x104: {  	v4 =	vor.u32 v4, v5  }
0x105: {  	v5 =	vperm.xlane v4, v0;
	_ =	sdelay $0x1  }
0x106: {  	v4 =	vperm.xlane v4, v2;
	v5 =	vadd.s32 v1, v5;
	_ =	sdelay $0x1  }
0x107: {  	v4 =	vadd.s32 v1, v4;
	_ =	sdelay $0x2  }
0x108: {  	[tilespmem:s12], [sflag:$0x1] =	stream.indirect_vreg.gather [hbm4b:s3+s2], $0x80, v5, vm0, $0xb8;
	[tilespmem:$0x15000] =	vst v63  }
0x109: {  	_ = 	snop  }
0x10a: {  	[tilespmem:s13], [sflag:$0x1] =	stream.indirect_vreg.gather [hbm4b:s3+s2], $0x80, v4, vm0, $0xb8;
	[tilespmem:$0x15000] =	vst v63  }
0x10b: {  	v4 =	vld [tilespmem:s28+$0x130];
	_ =	sdelay $0x4  }
0x10c: {  	v5 =	vshll.u32 v4, $0x1  }
0x10d: {  	v4 =	vand.u32 $0x7, v4;
	v5 =	vand.u32 $0xFFFFFFF0, v5  }
0x10e: {  	v4 =	vor.u32 v4, v5  }
0x10f: {  	v5 =	vperm.xlane v4, v0;
	_ =	sdelay $0x1  }
0x110: {  	v4 =	vperm.xlane v4, v2;
	v5 =	vadd.s32 v1, v5;
	_ =	sdelay $0x1  }
0x111: {  	v4 =	vadd.s32 v1, v4;
	_ =	sdelay $0x2  }
0x112: {  	[tilespmem:s14], [sflag:$0x1] =	stream.indirect_vreg.gather [hbm4b:s3+s2], $0x80, v5, vm0, $0xb8;
	[tilespmem:$0x15000] =	vst v63  }
0x113: {  	_ = 	snop  }
0x114: {  	[tilespmem:s15], [sflag:$0x1] =	stream.indirect_vreg.gather [hbm4b:s3+s2], $0x80, v4, vm0, $0xb8;
	[tilespmem:$0x15000] =	vst v63  }
0x115: {  	v4 =	vld [tilespmem:s28+$0x140];
	_ =	sdelay $0x4  }
0x116: {  	v5 =	vshll.u32 v4, $0x1  }
0x117: {  	v4 =	vand.u32 $0x7, v4;
	v5 =	vand.u32 $0xFFFFFFF0, v5  }
0x118: {  	v4 =	vor.u32 v4, v5  }
0x119: {  	v5 =	vperm.xlane v4, v0;
	_ =	sdelay $0x1  }
0x11a: {  	v4 =	vperm.xlane v4, v2;
	v5 =	vadd.s32 v1, v5;
	_ =	sdelay $0x1  }
0x11b: {  	v4 =	vadd.s32 v1, v4;
	_ =	sdelay $0x2  }
0x11c: {  	[tilespmem:s16], [sflag:$0x1] =	stream.indirect_vreg.gather [hbm4b:s3+s2], $0x80, v5, vm0, $0xb8;
	[tilespmem:$0x15000] =	vst v63  }
0x11d: {  	_ = 	snop  }
0x11e: {  	[tilespmem:s17], [sflag:$0x1] =	stream.indirect_vreg.gather [hbm4b:s3+s2], $0x80, v4, vm0, $0xb8;
	[tilespmem:$0x15000] =	vst v63  }
0x11f: {  	v4 =	vld [tilespmem:s28+$0x150];
	_ =	sdelay $0x4  }
0x120: {  	v5 =	vshll.u32 v4, $0x1  }
0x121: {  	v4 =	vand.u32 $0x7, v4;
	v5 =	vand.u32 $0xFFFFFFF0, v5  }
0x122: {  	v4 =	vor.u32 v4, v5  }
0x123: {  	v5 =	vperm.xlane v4, v0;
	_ =	sdelay $0x1  }
0x124: {  	v4 =	vperm.xlane v4, v2;
	v5 =	vadd.s32 v1, v5;
	_ =	sdelay $0x1  }
0x125: {  	v4 =	vadd.s32 v1, v4;
	_ =	sdelay $0x2  }
0x126: {  	[tilespmem:s18], [sflag:$0x1] =	stream.indirect_vreg.gather [hbm4b:s3+s2], $0x80, v5, vm0, $0xb8;
	[tilespmem:$0x15000] =	vst v63  }
0x127: {  	_ = 	snop  }
0x128: {  	[tilespmem:s19], [sflag:$0x1] =	stream.indirect_vreg.gather [hbm4b:s3+s2], $0x80, v4, vm0, $0xb8;
	[tilespmem:$0x15000] =	vst v63  }
0x129: {  	v4 =	vld.msk [tilespmem:s28+$0x160], $0xff;
	_ =	sdelay $0x4  }
0x12a: {  	v5 =	vshll.u32 v4, $0x1  }
0x12b: {  	v4 =	vand.u32 $0x7, v4;
	v5 =	vand.u32 $0xFFFFFFF0, v5  }
0x12c: {  	v4 =	vor.u32 v4, v5  }
0x12d: {  	v4 =	vperm.xlane v4, v0;
	_ =	sdelay $0x1  }
0x12e: {  	v4 =	vadd.s32 v1, v4;
	_ =	sdelay $0x4  }
0x12f: {  	[tilespmem:s20], [sflag:$0x1] =	stream.indirect_vreg.gather [hbm4b:s3+s2], $0x80, v4, vm0, $0xb8;
	[tilespmem:$0x15000] =	vst v63  }
.LBB2_8:
0x130: {  	_ =	swait.ge [sflag:s23], $0x6800  }
0x131: {  	s28 =	simm.s32 $0x0;
	[sflag:s23] =	ssyncset.done $0x0  }
0x132: {  	s29 =	simm.s32 $0x0;
	s30 =	simm.s32 $0x0;
	[sflag:s23] =	ssyncadd.s32 $0xFFFF9800  }
.LBB2_9:
0x133: {  	s0 =	sadd.s32 $0x0, s29  }
0x134: {  	s1 =	sand.u32 $0xF800, s28;
	s0 =	sand.u32 $0x380, s0  }
0x135: {  	s31 =	sor.u32 s0, s1  }
0x136: {  	v4 =	vld [tilespmem:s31+$0xAC70]  }
0x137: {  	v6 =	vld [tilespmem:s31+$0xA800]  }
0x138: {  	v7 =	vld [tilespmem:s31+$0xA810]  }
0x139: {  	v8 =	vld [tilespmem:s31+$0xA820]  }
0x13a: {  	v9 =	vld [tilespmem:s31+$0xA830]  }
0x13b: {  	v10 =	vld [tilespmem:s31+$0xA840]  }
0x13c: {  	v11 =	vld [tilespmem:s31+$0xA850]  }
0x13d: {  	v12 =	vld [tilespmem:s31+$0xA860]  }
0x13e: {  	v5 =	vimm.f32 $0.0e+00;
	v13 =	vld [tilespmem:s31+$0xA870]  }
0x13f: {  	v4 =	vadd.f32 v4, v5  }
0x140: {  	v19 =	vadd.f32 v6, v5;
	v18 =	vadd.f32 v7, v5  }
0x141: {  	v23 =	vld [tilespmem:s31+$0xAC00];
	v17 =	vadd.f32 v8, v5;
	v14 =	vadd.f32 v9, v5  }
0x142: {  	v22 =	vld [tilespmem:s31+$0xAC10];
	v15 =	vadd.f32 v10, v5;
	v16 =	vadd.f32 v11, v5  }
0x143: {  	v20 =	vld [tilespmem:s31+$0xAC20];
	v12 =	vadd.f32 v12, v5;
	v9 =	vadd.f32 v13, v5  }
0x144: {  	v21 =	vld [tilespmem:s31+$0xAC30];
	v13 =	vimm.f32 $0.0e+00;
	v10 =	vimm.f32 $0.0e+00;
	v7 =	vimm.f32 $0.0e+00  }
0x145: {  	s21 =	sadd.s32 $0x80, s29;
	s0 =	simm.s32 $0x100;
	s1 =	sadd.s32 $0x100, s28;
	v24 =	vld [tilespmem:s31+$0xAC40];
	v11 =	vimm.f32 $0.0e+00;
	v8 =	vimm.f32 $0.0e+00;
	v6 =	vimm.f32 $0.0e+00  }
.LBB2_10:
0x146: {  	p1 =	sne.s32 s0, $0xC80;
	s4 =	sand.u32 $0xF800, s1;
	s21 =	sand.u32 $0x380, s21;
	v5 =	vadd.f32 v23, v5;
	v23 =	vld [tilespmem:s31+$0xAC50]  }
0x147: {  	v13 =	vadd.f32 v22, v13;
	v22 =	vld [tilespmem:s31+$0xAC60];
	s31 =	sor.u32 s21, s4  }
0x148: {  	v25 =	vld [tilespmem:s31+$0xAC70];
	v10 =	vadd.f32 v20, v10  }
0x149: {  	v20 =	vld [tilespmem:s31+$0xA800];
	v7 =	vadd.f32 v21, v7  }
0x14a: {  	v21 =	vld [tilespmem:s31+$0xA810];
	v11 =	vadd.f32 v24, v11  }
0x14b: {  	v24 =	vld [tilespmem:s31+$0xA820];
	v8 =	vadd.f32 v23, v8  }
0x14c: {  	v23 =	vld [tilespmem:s31+$0xA830];
	v6 =	vadd.f32 v22, v6  }
0x14d: {  	v22 =	vld [tilespmem:s31+$0xA840];
	v4 =	vadd.f32 v25, v4  }
0x14e: {  	v19 =	vadd.f32 v20, v19;
	v20 =	vld [tilespmem:s31+$0xA850]  }
0x14f: {  	v18 =	vadd.f32 v21, v18;
	v21 =	vld [tilespmem:s31+$0xA860]  }
0x150: {  	v17 =	vadd.f32 v24, v17;
	v24 =	vld [tilespmem:s31+$0xA870]  }
.Ltmp3:
0x151: {  	v14 =	vadd.f32 v23, v14;
	v23 =	vld [tilespmem:s31+$0xAC00];
	(pc) =	sbr.rel @p1 .LBB2_10-.Ltmp3, $4  }
0x152: {  	v15 =	vadd.f32 v22, v15;
	v22 =	vld [tilespmem:s31+$0xAC10]  }
0x153: {  	v16 =	vadd.f32 v20, v16;
	v20 =	vld [tilespmem:s31+$0xAC20]  }
0x154: {  	v12 =	vadd.f32 v21, v12;
	v21 =	vld [tilespmem:s31+$0xAC30]  }
0x155: {  	s1 =	sadd.s32 $0x100, s1;
	s21 =	sadd.s32 s0, s29;
	s0 =	sadd.s32 $0x80, s0;
	v9 =	vadd.f32 v24, v9;
	v24 =	vld [tilespmem:s31+$0xAC40]  }
0x156: {  	s0 =	sand.u32 $0xF800, s1;
	s4 =	sand.u32 $0x380, s21;
	v25 =	vld [tilespmem:s31+$0xAC50]  }
0x157: {  	v26 =	vld [tilespmem:s31+$0xAC60];
	s0 =	sor.u32 s4, s0  }
0x158: {  	v27 =	vld [tilespmem:s0+$0xAC70]  }
0x159: {  	v28 =	vld [tilespmem:s0+$0xA800]  }
0x15a: {  	v29 =	vld [tilespmem:s0+$0xA810]  }
0x15b: {  	v30 =	vld [tilespmem:s0+$0xA820]  }
0x15c: {  	v31 =	vld [tilespmem:s0+$0xA830]  }
0x15d: {  	v32 =	vld [tilespmem:s0+$0xA840]  }
0x15e: {  	v33 =	vld [tilespmem:s0+$0xA850]  }
0x15f: {  	v34 =	vld [tilespmem:s0+$0xA860]  }
0x160: {  	v35 =	vld [tilespmem:s0+$0xA870]  }
0x161: {  	v36 =	vld [tilespmem:s0+$0xAC00]  }
0x162: {  	v37 =	vld [tilespmem:s0+$0xAC10]  }
0x163: {  	v38 =	vld [tilespmem:s0+$0xAC20]  }
0x164: {  	v5 =	vadd.f32 v23, v5;
	v39 =	vld [tilespmem:s0+$0xAC30]  }
0x165: {  	s21 =	sshll.u32 s30, $0x7;
	v40 =	vld [tilespmem:s0+$0xAC40];
	v19 =	vadd.f32 v28, v19  }
0x166: {  	s31 =	sand.u32 $0x3FFFFF80, s21;
	v13 =	vadd.f32 v22, v13;
	v59 =	vld [tilespmem:s0+$0xAC50];
	v5 =	vadd.f32 v36, v5  }
0x167: {  	v60 =	vld [tilespmem:s0+$0xAC60];
	v18 =	vadd.f32 v29, v18;
	[tilespmem:v3+s31+$0x200 ss:$0x1] =	vst.idx.msk $0xffff, v19  }
0x168: {  	v10 =	vadd.f32 v20, v10;
	v61 =	vadd.f32 v37, v13;
	[tilespmem:v3+s31+$0x600 ss:$0x1] =	vst.idx.msk $0xffff, v5  }
0x169: {  	v17 =	vadd.f32 v30, v17;
	[tilespmem:v3+s31+$0x210 ss:$0x1] =	vst.idx.msk $0xffff, v18  }
0x16a: {  	v7 =	vadd.f32 v21, v7;
	v10 =	vadd.f32 v38, v10;
	[tilespmem:v3+s31+$0x610 ss:$0x1] =	vst.idx.msk $0xffff, v61  }
0x16b: {  	v14 =	vadd.f32 v31, v14;
	[tilespmem:v3+s31+$0x220 ss:$0x1] =	vst.idx.msk $0xffff, v17  }
0x16c: {  	v62 =	vadd.f32 v24, v11;
	v7 =	vadd.f32 v39, v7;
	[tilespmem:v3+s31+$0x620 ss:$0x1] =	vst.idx.msk $0xffff, v10  }
0x16d: {  	v15 =	vadd.f32 v32, v15;
	[tilespmem:v3+s31+$0x230 ss:$0x1] =	vst.idx.msk $0xffff, v14  }
0x16e: {  	v63 =	vadd.f32 v40, v62;
	v5 =	vadd.f32 v25, v8;
	[tilespmem:v3+s31+$0x630 ss:$0x1] =	vst.idx.msk $0xffff, v7  }
0x16f: {  	v16 =	vadd.f32 v33, v16;
	[tilespmem:v3+s31+$0x240 ss:$0x1] =	vst.idx.msk $0xffff, v15  }
0x170: {  	s30 =	sadd.s32 $0x1, s30;
	v6 =	vadd.f32 v26, v6;
	v5 =	vadd.f32 v59, v5;
	[tilespmem:v3+s31+$0x640 ss:$0x1] =	vst.idx.msk $0xffff, v63  }
0x171: {  	p1 =	sne.s32 s30, $0x4;
	v12 =	vadd.f32 v34, v12;
	[tilespmem:v3+s31+$0x250 ss:$0x1] =	vst.idx.msk $0xffff, v16  }
.Ltmp4:
0x172: {  	v6 =	vadd.f32 v60, v6;
	[tilespmem:v3+s31+$0x650 ss:$0x1] =	vst.idx.msk $0xffff, v5;
	(pc) =	sbr.rel @p1 .LBB2_9-.Ltmp4, $4  }
0x173: {  	v9 =	vadd.f32 v35, v9;
	[tilespmem:v3+s31+$0x260 ss:$0x1] =	vst.idx.msk $0xffff, v12  }
0x174: {  	v4 =	vadd.f32 v27, v4;
	[tilespmem:v3+s31+$0x660 ss:$0x1] =	vst.idx.msk $0xffff, v6  }
0x175: {  	[tilespmem:v3+s31+$0x270 ss:$0x1] =	vst.idx.msk $0xffff, v9  }
0x176: {  	s29 =	sadd.s32 $0xD00, s29;
	s28 =	sadd.s32 $0x1A00, s28;
	[tilespmem:v3+s31+$0x670 ss:$0x1] =	vst.idx.msk $0xffff, v4  }
0x177: {  	s0 =	sshll.u32 @!p0 s26, $0x8  }
0x178: {  	s28 =	sand.u32 @!p0 $0x3FFFFF00, s0  }
0x179: {  	v3 =	vld @!p0 [tilespmem:s28+$0x180];
	_ =	sdelay $0x4  }
0x17a: {  	v4 =	vshll.u32 @!p0 v3, $0x1  }
0x17b: {  	v5 =	vlaneseq.u32 @!p0;
	v3 =	vand.u32 @!p0 $0x7, v3;
	v4 =	vand.u32 @!p0 $0xFFFFFFF0, v4  }
0x17c: {  	v6 =	vshrl.u32 @!p0 v5, $0x3;
	v3 =	vor.u32 @!p0 v3, v4;
	v4 =	vand.u32 @!p0 $0x7, v5  }
0x17d: {  	v6 =	vmul.u32 @!p0 $0x8, v6;
	v7 =	vperm.xlane @!p0 v3, v4  }
0x17e: {  	v5 =	vor.u32 @!p0 $0x8, v5  }
0x17f: {  	v3 =	vperm.xlane @!p0 v3, v5;
	v7 =	vadd.s32 @!p0 v6, v7;
	_ =	sdelay $0x1  }
0x180: {  	v3 =	vadd.s32 @!p0 v6, v3;
	_ =	sdelay $0x1  }
0x181: {  	vm1 =	vmmov @!p0 $0xffff;
	s29 =	simm.s32 @!p0 $0x0;
	s0 =	simm.s32 @!p0 $0xA800  }
0x182: {  	[tilespmem:s0], [sflag:$0x2] =	stream.indirect_vreg.gather @!p0 [hbm4b:s3+s29], $0x80, v7, vm1, $0xb8;
	[tilespmem:$0x15000] =	vst v63  }
0x183: {  	s0 =	simm.s32 @!p0 $0xB000  }
0x184: {  	[tilespmem:s0], [sflag:$0x2] =	stream.indirect_vreg.gather @!p0 [hbm4b:s3+s29], $0x80, v3, vm1, $0xb8;
	[tilespmem:$0x15000] =	vst v63  }
0x185: {  	v3 =	vld @!p0 [tilespmem:s28+$0x190];
	_ =	sdelay $0x4  }
0x186: {  	v7 =	vshll.u32 @!p0 v3, $0x1  }
0x187: {  	v3 =	vand.u32 @!p0 $0x7, v3;
	v7 =	vand.u32 @!p0 $0xFFFFFFF0, v7  }
0x188: {  	v3 =	vor.u32 @!p0 v3, v7  }
0x189: {  	v7 =	vperm.xlane @!p0 v3, v4;
	_ =	sdelay $0x1  }
0x18a: {  	v3 =	vperm.xlane @!p0 v3, v5;
	v7 =	vadd.s32 @!p0 v6, v7;
	_ =	sdelay $0x1  }
0x18b: {  	v3 =	vadd.s32 @!p0 v6, v3;
	_ =	sdelay $0x1  }
0x18c: {  	s0 =	simm.s32 @!p0 $0xB800  }
0x18d: {  	[tilespmem:s0], [sflag:$0x2] =	stream.indirect_vreg.gather @!p0 [hbm4b:s3+s29], $0x80, v7, vm1, $0xb8;
	[tilespmem:$0x15000] =	vst v63  }
0x18e: {  	s0 =	simm.s32 @!p0 $0xC000  }
0x18f: {  	[tilespmem:s0], [sflag:$0x2] =	stream.indirect_vreg.gather @!p0 [hbm4b:s3+s29], $0x80, v3, vm1, $0xb8;
	[tilespmem:$0x15000] =	vst v63  }
0x190: {  	v3 =	vld @!p0 [tilespmem:s28+$0x1A0];
	_ =	sdelay $0x4  }
0x191: {  	v7 =	vshll.u32 @!p0 v3, $0x1  }
0x192: {  	v3 =	vand.u32 @!p0 $0x7, v3;
	v7 =	vand.u32 @!p0 $0xFFFFFFF0, v7  }
0x193: {  	v3 =	vor.u32 @!p0 v3, v7  }
0x194: {  	v7 =	vperm.xlane @!p0 v3, v4;
	_ =	sdelay $0x1  }
0x195: {  	v3 =	vperm.xlane @!p0 v3, v5;
	v7 =	vadd.s32 @!p0 v6, v7;
	_ =	sdelay $0x1  }
0x196: {  	v3 =	vadd.s32 @!p0 v6, v3;
	_ =	sdelay $0x1  }
0x197: {  	s0 =	simm.s32 @!p0 $0xC800  }
0x198: {  	[tilespmem:s0], [sflag:$0x2] =	stream.indirect_vreg.gather @!p0 [hbm4b:s3+s29], $0x80, v7, vm1, $0xb8;
	[tilespmem:$0x15000] =	vst v63  }
0x199: {  	s0 =	simm.s32 @!p0 $0xD000  }
0x19a: {  	[tilespmem:s0], [sflag:$0x2] =	stream.indirect_vreg.gather @!p0 [hbm4b:s3+s29], $0x80, v3, vm1, $0xb8;
	[tilespmem:$0x15000] =	vst v63  }
0x19b: {  	v3 =	vld @!p0 [tilespmem:s28+$0x1B0];
	_ =	sdelay $0x4  }
0x19c: {  	v7 =	vshll.u32 @!p0 v3, $0x1  }
0x19d: {  	v3 =	vand.u32 @!p0 $0x7, v3;
	v7 =	vand.u32 @!p0 $0xFFFFFFF0, v7  }
0x19e: {  	v3 =	vor.u32 @!p0 v3, v7  }
0x19f: {  	v7 =	vperm.xlane @!p0 v3, v4;
	_ =	sdelay $0x1  }
0x1a0: {  	v3 =	vperm.xlane @!p0 v3, v5;
	v7 =	vadd.s32 @!p0 v6, v7;
	_ =	sdelay $0x1  }
0x1a1: {  	v3 =	vadd.s32 @!p0 v6, v3;
	_ =	sdelay $0x1  }
0x1a2: {  	s0 =	simm.s32 @!p0 $0xD800  }
0x1a3: {  	[tilespmem:s0], [sflag:$0x2] =	stream.indirect_vreg.gather @!p0 [hbm4b:s3+s29], $0x80, v7, vm1, $0xb8;
	[tilespmem:$0x15000] =	vst v63  }
0x1a4: {  	s0 =	simm.s32 @!p0 $0xE000  }
0x1a5: {  	[tilespmem:s0], [sflag:$0x2] =	stream.indirect_vreg.gather @!p0 [hbm4b:s3+s29], $0x80, v3, vm1, $0xb8;
	[tilespmem:$0x15000] =	vst v63  }
0x1a6: {  	v3 =	vld @!p0 [tilespmem:s28+$0x1C0];
	_ =	sdelay $0x4  }
0x1a7: {  	v7 =	vshll.u32 @!p0 v3, $0x1  }
0x1a8: {  	v3 =	vand.u32 @!p0 $0x7, v3;
	v7 =	vand.u32 @!p0 $0xFFFFFFF0, v7  }
0x1a9: {  	v3 =	vor.u32 @!p0 v3, v7  }
0x1aa: {  	v7 =	vperm.xlane @!p0 v3, v4;
	_ =	sdelay $0x1  }
0x1ab: {  	v3 =	vperm.xlane @!p0 v3, v5;
	v7 =	vadd.s32 @!p0 v6, v7;
	_ =	sdelay $0x1  }
0x1ac: {  	v3 =	vadd.s32 @!p0 v6, v3;
	_ =	sdelay $0x1  }
0x1ad: {  	s0 =	simm.s32 @!p0 $0xE800  }
0x1ae: {  	[tilespmem:s0], [sflag:$0x2] =	stream.indirect_vreg.gather @!p0 [hbm4b:s3+s29], $0x80, v7, vm1, $0xb8;
	[tilespmem:$0x15000] =	vst v63  }
0x1af: {  	s0 =	simm.s32 @!p0 $0xF000  }
0x1b0: {  	[tilespmem:s0], [sflag:$0x2] =	stream.indirect_vreg.gather @!p0 [hbm4b:s3+s29], $0x80, v3, vm1, $0xb8;
	[tilespmem:$0x15000] =	vst v63  }
0x1b1: {  	v3 =	vld @!p0 [tilespmem:s28+$0x1D0];
	_ =	sdelay $0x4  }
0x1b2: {  	v7 =	vshll.u32 @!p0 v3, $0x1  }
0x1b3: {  	v3 =	vand.u32 @!p0 $0x7, v3;
	v7 =	vand.u32 @!p0 $0xFFFFFFF0, v7  }
0x1b4: {  	v3 =	vor.u32 @!p0 v3, v7  }
0x1b5: {  	v7 =	vperm.xlane @!p0 v3, v4;
	_ =	sdelay $0x1  }
0x1b6: {  	v3 =	vperm.xlane @!p0 v3, v5;
	v7 =	vadd.s32 @!p0 v6, v7;
	_ =	sdelay $0x1  }
0x1b7: {  	v3 =	vadd.s32 @!p0 v6, v3;
	_ =	sdelay $0x1  }
0x1b8: {  	s0 =	simm.s32 @!p0 $0xF800  }
0x1b9: {  	[tilespmem:s0], [sflag:$0x2] =	stream.indirect_vreg.gather @!p0 [hbm4b:s3+s29], $0x80, v7, vm1, $0xb8;
	[tilespmem:$0x15000] =	vst v63  }
0x1ba: {  	s0 =	simm.s32 @!p0 $0x10000  }
0x1bb: {  	[tilespmem:s0], [sflag:$0x2] =	stream.indirect_vreg.gather @!p0 [hbm4b:s3+s29], $0x80, v3, vm1, $0xb8;
	[tilespmem:$0x15000] =	vst v63  }
0x1bc: {  	v3 =	vld.msk @!p0 [tilespmem:s28+$0x1E0], $0xff;
	_ =	sdelay $0x4  }
0x1bd: {  	v5 =	vshll.u32 @!p0 v3, $0x1  }
0x1be: {  	v3 =	vand.u32 @!p0 $0x7, v3;
	v5 =	vand.u32 @!p0 $0xFFFFFFF0, v5  }
0x1bf: {  	v3 =	vor.u32 @!p0 v3, v5  }
0x1c0: {  	v3 =	vperm.xlane @!p0 v3, v4;
	_ =	sdelay $0x1  }
0x1c1: {  	v3 =	vadd.s32 @!p0 v6, v3;
	_ =	sdelay $0x3  }
0x1c2: {  	s0 =	simm.s32 @!p0 $0x10800  }
0x1c3: {  	[tilespmem:s0], [sflag:$0x2] =	stream.indirect_vreg.gather @!p0 [hbm4b:s3+s29], $0x80, v3, vm1, $0xb8;
	[tilespmem:$0x15000] =	vst v63  }
0x1c4: {  	s0 =	sand.u32 @!p0 $0x7, s26  }
0x1c5: {  	p1 =	sne.s32 @!p0 s0, $0x7  }
0x1c6: {  	p0 =	por p0, !p1  }
0x1c7: {  	s0 =	sshll.u32 @p0 s26, $0x8  }
0x1c8: {  	s0 =	sand.u32 @p0 $0x3800, s0  }
0x1c9: {  	s0 =	sadd.s32 @p0 s0, s5  }
0x1ca: {  	[hbm4b:s0+s2] =	stream.linear.scatter @p0 [tilespmem:s24], [sflag:$0x3], $0x4000, $0x38;
	[tilespmem:$0x15000] =	vst v63  }
0x1cb: {  	_ =	swait.ge @p0 [sflag:s7], $0x4000  }
0x1cc: {  	s26 =	sadd.s32 $0x1, s26;
	[sflag:s7] =	ssyncset.done @p0 $0x0  }
0x1cd: {  	[sflag:s7] =	ssyncadd.s32 @p0 $0xFFFFC000;
	p0 =	sne.s32 s26, $0x40  }
.Ltmp5:
0x1ce: {  	_ = 	snop;
	(pc) =	sbr.rel @p0 .LBB2_2-.Ltmp5, $1  }
0x1cf: {  	_ =	sdelay $0x3  }
0x1d0: {  	s25 =	sadd.s32 $0x1, s25  }
0x1d1: {  	p0 =	sne.s32 s25, s6  }
.Ltmp6:
0x1d2: {  	_ = 	snop;
	(pc) =	sbr.rel @p0 .LBB2_1-.Ltmp6, $1  }
0x1d3: {  	_ =	sdelay $0x3  }
0x1d4: {  	_ =	sfence.sel $0x180000  }
0x1d5: {  	[bflag:$0x0] =	sbarrier.arrive $0xFFFF  }
0x1d6: {  	_ =	strace $0x90000047  }
0x1d7: {  	s0 =	stileid.u32;
	[bflag:$0x2] =	sbarrier.arrive $0xFFFF  }
0x1d8: {  	p0 =	sne.s32 s0, $0x0;
	s0 =	rddreg [dreg:$0x1]  }
0x1d9: {  	s0 =	sadd.s32 @!p0 $0x100000, s0  }
0x1da: {  	[sflag:s0] =	ssyncadd.tile.s32 @!p0 $0x1;
	_ =	shalt  }
.Lfunc_end2:
_tile_overlayer_lowered:
.L_overlay_start_2:
0x1db: {  	(tag) =	ssettag $0x2  }
0x1dc: {  	s0 =	rddreg [dreg:$0x0];
	s2 =	stileid.u32  }
0x1dd: {  	s1 =	rddreg [dreg:$0x1];
	p0 =	sne.s32 s2, $0x0  }
0x1de: {  	s3 =	rddreg [dreg:$0x2];
	[bflag:$0x3] =	sbarrier.arrive $0xFFFF;
	s2 =	simm.s32 @!p0 $0x1C03  }
0x1df: {  	[timem:s3], [sflag:s2] =	dma.local @!p0 [hbm:s0], s1  }
0x1e0: {  	s0 =	simm.s32 @!p0 $0x3  }
0x1e1: {  	_ =	swait.ge @!p0 [sflag:s0], s1  }
0x1e2: {  	s1 =	ssub.s32 @!p0 $0x0, s1;
	[sflag:s0] =	ssyncset.done @!p0 $0x0  }
0x1e3: {  	[sflag:s0] =	ssyncadd.s32 @!p0 s1  }
0x1e4: {  	[bflag:$0x3] =	sbarrier.arrive $0xFFFF  }
0x1e5: {  	_ =	shalt  }

</sc_bundles>
